<compile_context>
chip_gen: v7x
topology: tpu7x:2x2x1
jax: 0.10.2.dev20260603
libtpu: 0.0.44.dev20260713+nightly
codegen_flags: <defaults>
</compile_context>

<pallas_src>
import math
import jax
import jax.numpy as jnp
from jax.experimental import pallas as pl
from jax.experimental.pallas import tpu as pltpu

_PRE_NMS_THRESH = 0.05
_PRE_NMS_TOP_N = 1000
_NMS_THRESH = 0.5
_POST_TOP_N = 100
_IMG_W = 800.0
_IMG_H = 800.0
_WX, _WY, _WW, _WH = 10.0, 10.0, 5.0, 5.0
_CLIP = math.log(1000.0 / 16.0)
_K = 1024
_R = 9
_LANES = 1024


def _score_body(x_ref, v_ref, i_ref):
    x = x_ref[...]
    p = jax.nn.sigmoid(x)
    p = jnp.where(p > _PRE_NMS_THRESH, p, 0.0)
    rows = x.shape[0]
    lane = jax.lax.broadcasted_iota(jnp.int32, (rows, _LANES), 1)
    rowi = jax.lax.broadcasted_iota(jnp.int32, (rows, 1), 0)
    for j in range(_R):
        m = jnp.max(p, axis=1, keepdims=True)
        cand = jnp.where(p == m, lane, _LANES)
        la = jnp.min(cand, axis=1, keepdims=True)
        v_ref[:, j:j + 1] = m
        i_ref[:, j:j + 1] = rowi * _LANES + la
        p = jnp.where(lane == la, 0.0, p)


def _decode_comps(r0, r1, r2, r3, a0, a1, a2, a3):
    widths = a2 - a0 + 1.0
    heights = a3 - a1 + 1.0
    ctr_x = a0 + 0.5 * widths
    ctr_y = a1 + 0.5 * heights
    dx = r0 / _WX
    dy = r1 / _WY
    dw = jnp.minimum(r2 / _WW, _CLIP)
    dh = jnp.minimum(r3 / _WH, _CLIP)
    px = dx * widths + ctr_x
    py = dy * heights + ctr_y
    pw = jnp.exp(dw) * widths
    ph = jnp.exp(dh) * heights
    x1 = jnp.clip(px - 0.5 * (pw - 1.0), 0.0, _IMG_W - 1.0)
    y1 = jnp.clip(py - 0.5 * (ph - 1.0), 0.0, _IMG_H - 1.0)
    x2 = jnp.clip(px + 0.5 * (pw - 1.0), 0.0, _IMG_W - 1.0)
    y2 = jnp.clip(py + 0.5 * (ph - 1.0), 0.0, _IMG_H - 1.0)
    return x1, y1, x2, y2


def _nms_body(ra_r_ref, ra_c_ref, cls_r_ref, cls_c_ref, det_ref, keep_ref,
              sup_ref):
    rr = [ra_r_ref[k:k + 1, :] for k in range(8)]
    cc = [ra_c_ref[:, k:k + 1] for k in range(8)]
    x1r, y1r, x2r, y2r = _decode_comps(*rr)
    x1c, y1c, x2c, y2c = _decode_comps(*cc)
    offr = cls_r_ref[...] * (_IMG_W + _IMG_H)
    offc = cls_c_ref[...] * (_IMG_W + _IMG_H)
    ox1r, oy1r, ox2r, oy2r = x1r + offr, y1r + offr, x2r + offr, y2r + offr
    ox1c, oy1c, ox2c, oy2c = x1c + offc, y1c + offc, x2c + offc, y2c + offc
    arear = (ox2r - ox1r + 1.0) * (oy2r - oy1r + 1.0)
    areac = (ox2c - ox1c + 1.0) * (oy2c - oy1c + 1.0)
    ww = jnp.clip(jnp.minimum(ox2c, ox2r) - jnp.maximum(ox1c, ox1r) + 1.0,
                  0.0, None)
    hh = jnp.clip(jnp.minimum(oy2c, oy2r) - jnp.maximum(oy1c, oy1r) + 1.0,
                  0.0, None)
    inter = ww * hh
    iou = inter / (areac + arear - inter + 1e-9)
    sup_ref[...] = jnp.where(iou > _NMS_THRESH, 1.0, 0.0)
    det_ref[:, 0:1] = x1c
    det_ref[:, 1:2] = y1c
    det_ref[:, 2:3] = x2c
    det_ref[:, 3:4] = y2c
    keep_ref[...] = jnp.ones((1, _K), jnp.float32)
    lane = jax.lax.broadcasted_iota(jnp.int32, (1, _K), 1)

    def body(i, carry):
        k = keep_ref[...]
        ki = jnp.sum(k * jnp.where(lane == i, 1.0, 0.0))
        row = sup_ref[pl.ds(i, 1), :]
        gt = jnp.where(lane > i, 1.0, 0.0)
        keep_ref[...] = k * (1.0 - row * gt * ki)
        return carry

    jax.lax.fori_loop(0, _PRE_NMS_TOP_N, body, 0)


def kernel(box_cls, box_regression, anchors):
    N = box_cls.shape[0]
    H, W = box_cls.shape[2], box_cls.shape[3]
    A = box_regression.shape[1] // 4
    C = box_cls.shape[1] // A
    M = H * W * A
    MC = M * C

    cls_t = box_cls.reshape(N, A, C, H, W).transpose(0, 3, 4, 1, 2)
    cls_t = cls_t.reshape(N, MC)
    pad = (-MC) % _LANES
    rows = (MC + pad) // _LANES
    xpad = jnp.pad(cls_t, ((0, 0), (0, pad)), constant_values=-1e30)
    xpad = xpad.reshape(N, rows, _LANES)

    score = pl.pallas_call(
        _score_body,
        out_shape=(jax.ShapeDtypeStruct((rows, _R), jnp.float32),
                   jax.ShapeDtypeStruct((rows, _R), jnp.int32)),
    )
    vals, idxs = jax.vmap(score)(xpad)

    cands = vals[:, :, :_R - 1].reshape(N, rows * (_R - 1))
    cidx = idxs[:, :, :_R - 1].reshape(N, rows * (_R - 1))
    tv, tp = jax.lax.top_k(cands, _PRE_NMS_TOP_N)
    ti = jnp.take_along_axis(cidx, tp, axis=1)
    ninth = jnp.max(vals[:, :, _R - 1], axis=1)
    exact = jnp.all((tv[:, -1] > 0.0) & (ninth < tv[:, -1]))

    def _full_topk(_):
        p = jax.nn.sigmoid(cls_t)
        masked = jnp.where(p > _PRE_NMS_THRESH, p, 0.0)
        fv_, fi_ = jax.lax.top_k(masked, _PRE_NMS_TOP_N)
        return fv_, fi_

    topv, topi = jax.lax.cond(exact, lambda _: (tv, ti), _full_topk,
                              operand=None)
    loc = topi // C
    cls = topi % C + 1

    reg_t = box_regression.reshape(N, A, 4, H, W).transpose(0, 3, 4, 1, 2)
    reg_t = reg_t.reshape(N, M, 4)
    rel = jnp.take_along_axis(reg_t, loc[..., None], axis=1)
    anc = anchors[loc]
    kp = _K - _PRE_NMS_TOP_N
    ra = jnp.concatenate([rel, anc], axis=-1)
    ra_c = jnp.pad(ra, ((0, 0), (0, kp), (0, 0)))
    ra_r = ra_c.transpose(0, 2, 1)
    clsf = jnp.pad(cls.astype(jnp.float32), ((0, 0), (0, kp)))
    cls_r = clsf[:, None, :]
    cls_c = clsf[:, :, None]

    nms = pl.pallas_call(
        _nms_body,
        out_shape=(jax.ShapeDtypeStruct((_K, 4), jnp.float32),
                   jax.ShapeDtypeStruct((1, _K), jnp.float32)),
        scratch_shapes=[pltpu.VMEM((_K, _K), jnp.float32)],
    )
    det, keepf = jax.vmap(nms)(ra_r, ra_c, cls_r, cls_c)

    det = det[:, :_PRE_NMS_TOP_N, :]
    keep = (keepf[:, 0, :_PRE_NMS_TOP_N] > 0.0) & (topv > 0.0)
    final = jnp.where(keep, topv, -1.0)
    fv, fi = jax.lax.top_k(final, _POST_TOP_N)
    fb = jnp.take_along_axis(det, fi[..., None], axis=1)
    fs = jnp.where(fv > 0.0, fv, 0.0)
    fl = jnp.take_along_axis(cls, fi, axis=1)
    return fb, fs, fl

# --- scband reference (transcript-rebuilt; emitter-appended) ---
"""Pipeline reference for scband-retina-net-post-processor-55791625175774 (READ-ONLY COPY).

The authoritative reference and input builder live on the scoring server;
editing this copy changes nothing except your own understanding.
"""

import jax, jax.numpy as jnp
import numpy as np
import math

PRE_NMS_THRESH = 0.05
PRE_NMS_TOP_N = 1000
NMS_THRESH = 0.5
POST_TOP_N = 100
MIN_SIZE = 0.0
IMG_W = 800.0
IMG_H = 800.0
WX, WY, WW, WH = 10.0, 10.0, 5.0, 5.0
BBOX_XFORM_CLIP = math.log(1000.0 / 16.0)


def _make_anchors(H, W, stride=16):
    sizes = np.array([32.0, 64.0, 128.0])
    ratios = np.array([0.5, 1.0, 2.0])
    base = []
    for s in sizes:
        for r in ratios:
            w = s * np.sqrt(1.0 / r)
            h = s * np.sqrt(r)
            base.append([-(w - 1) / 2, -(h - 1) / 2, (w - 1) / 2, (h - 1) / 2])
    base = np.array(base)
    ys = np.arange(H) * stride
    xs = np.arange(W) * stride
    yy, xx = np.meshgrid(ys, xs, indexing='ij')
    shifts = np.stack([xx, yy, xx, yy], axis=-1).reshape(H, W, 1, 4)
    anc = (shifts + base.reshape(1, 1, 9, 4)).reshape(-1, 4)
    return anc.astype(np.float32)


def setup_inputs(seed: int = 0) -> dict:
    key = jax.random.key(seed)
    k1, k2 = jax.random.split(key)
    N, A, C, H, W = 2, 9, 80, 50, 50
    box_cls = jax.random.normal(k1, (N, A * C, H, W), dtype=jnp.float32) - 2.0
    box_regression = jax.random.normal(k2, (N, A * 4, H, W), dtype=jnp.float32) * 0.5
    anchors = jnp.asarray(_make_anchors(H, W))
    return {'box_cls': box_cls, 'box_regression': box_regression, 'anchors': anchors}


def _decode(rel, anc):
    widths = anc[:, 2] - anc[:, 0] + 1.0
    heights = anc[:, 3] - anc[:, 1] + 1.0
    ctr_x = anc[:, 0] + 0.5 * widths
    ctr_y = anc[:, 1] + 0.5 * heights
    dx = rel[:, 0] / WX
    dy = rel[:, 1] / WY
    dw = jnp.minimum(rel[:, 2] / WW, BBOX_XFORM_CLIP)
    dh = jnp.minimum(rel[:, 3] / WH, BBOX_XFORM_CLIP)
    px = dx * widths + ctr_x
    py = dy * heights + ctr_y
    pw = jnp.exp(dw) * widths
    ph = jnp.exp(dh) * heights
    x1 = px - 0.5 * (pw - 1.0)
    y1 = py - 0.5 * (ph - 1.0)
    x2 = px + 0.5 * (pw - 1.0)
    y2 = py + 0.5 * (ph - 1.0)
    return jnp.stack([x1, y1, x2, y2], axis=1)


def _iou(b):
    area = (b[:, 2] - b[:, 0] + 1.0) * (b[:, 3] - b[:, 1] + 1.0)
    lt = jnp.maximum(b[:, None, :2], b[None, :, :2])
    rb = jnp.minimum(b[:, None, 2:], b[None, :, 2:])
    wh = jnp.clip(rb - lt + 1.0, 0.0, None)
    inter = wh[..., 0] * wh[..., 1]
    return inter / (area[:, None] + area[None, :] - inter + 1e-9)


def _per_image(logits, regs, anchors):
    M, C = logits.shape
    probs = jax.nn.sigmoid(logits)
    cand = probs > PRE_NMS_THRESH
    masked = jnp.where(cand, probs, 0.0)
    topv, topi = jax.lax.top_k(masked.reshape(-1), PRE_NMS_TOP_N)
    loc = topi // C
    cls = topi % C + 1
    det = _decode(regs[loc], anchors[loc])
    x1 = jnp.clip(det[:, 0], 0.0, IMG_W - 1.0)
    y1 = jnp.clip(det[:, 1], 0.0, IMG_H - 1.0)
    x2 = jnp.clip(det[:, 2], 0.0, IMG_W - 1.0)
    y2 = jnp.clip(det[:, 3], 0.0, IMG_H - 1.0)
    det = jnp.stack([x1, y1, x2, y2], axis=1)
    ws = det[:, 2] - det[:, 0] + 1.0
    hs = det[:, 3] - det[:, 1] + 1.0
    valid = (topv > PRE_NMS_THRESH) & (ws >= MIN_SIZE) & (hs >= MIN_SIZE)
    s = jnp.where(valid, topv, 0.0)
    off = cls.astype(jnp.float32)[:, None] * (IMG_W + IMG_H)
    obox = det + off
    order = jnp.argsort(-s)
    b = det[order]
    ob = obox[order]
    ss = s[order]
    ll = cls[order]
    iou = jax.lax.stop_gradient(_iou(ob))
    K = PRE_NMS_TOP_N
    idx = jnp.arange(K)

    def body(i, keep):
        sup = (iou[i] > NMS_THRESH) & (idx > i) & keep[i]
        return keep & (~sup)

    keep = jax.lax.fori_loop(0, K, body, jnp.ones((K,), dtype=bool))
    keep = keep & (ss > 0.0)
    final = jnp.where(keep, ss, -1.0)
    fv, fi = jax.lax.top_k(final, POST_TOP_N)
    fb = b[fi]
    fl = ll[fi]
    fs = jnp.where(fv > 0.0, fv, 0.0)
    return fb, fs, fl


def reference(box_cls, box_regression, anchors):
    N = box_cls.shape[0]
    H, W = box_cls.shape[2], box_cls.shape[3]
    A = box_regression.shape[1] // 4
    C = box_cls.shape[1] // A
    cls_t = box_cls.reshape(N, A, C, H, W).transpose(0, 3, 4, 1, 2).reshape(N, H * W * A, C)
    reg_t = box_regression.reshape(N, A, 4, H, W).transpose(0, 3, 4, 1, 2).reshape(N, H * W * A, 4)
    fb, fs, fl = jax.vmap(lambda s, r: _per_image(s, r, anchors))(cls_t, reg_t)
    return fb, fs, fl

if __name__ == "__main__":
    import jax
    _d = setup_inputs()
    print(jax.jit(kernel)(*tuple(_d.values())))

</pallas_src>

<mosaic_0001>
module attributes {stable_mosaic.version = 14 : i64} {
  func.func @_score_body(%arg0: i32, %arg1: memref<1x1758x1024xf32, #tpu.memory_space<vmem>>, %arg2: memref<1x1758x9xf32, #tpu.memory_space<vmem>>, %arg3: memref<1x1758x9xi32, #tpu.memory_space<vmem>>) attributes {dimension_semantics = [#tpu.dimension_semantics<parallel>], iteration_bounds = array<i64: 2>, scalar_prefetch = 0 : i64, scratch_operands = 0 : i64, tpu.core_type = #tpu.core_type<tc>, window_params = [{transform_indices = @transform_0, window_bounds = array<i64: 1, 1758, 1024>}, {transform_indices = @transform_1, window_bounds = array<i64: 1, 1758, 9>}, {transform_indices = @transform_2, window_bounds = array<i64: 1, 1758, 9>}]} {
    %get3A = arith.constant 0 : index
    %get3A_0 = arith.constant 0 : index
    %get3A_1 = arith.constant 0 : index
    %get3A_2 = vector.load %arg1[%get3A, %get3A_0, %get3A_1] : memref<1x1758x1024xf32, #tpu.memory_space<vmem>>, vector<1x1758x1024xf32>
    %get3A_3 = vector.shape_cast %get3A_2 : vector<1x1758x1024xf32> to vector<1758x1024xf32>
    %logistic3A = arith.negf %get3A_3 : vector<1758x1024xf32>
    %logistic3A_4 = math.exp %logistic3A : vector<1758x1024xf32>
    %logistic3A_5 = arith.constant 1.000000e+00 : f32
    %logistic3A_6 = vector.broadcast %logistic3A_5 : f32 to vector<1758x1024xf32>
    %logistic3A_7 = arith.addf %logistic3A_6, %logistic3A_4 : vector<1758x1024xf32>
    %logistic3A_8 = arith.divf %logistic3A_6, %logistic3A_7 : vector<1758x1024xf32>
    %gt3A = arith.constant 5.000000e-02 : f32
    %gt3A_9 = vector.broadcast %gt3A : f32 to vector<1758x1024xf32>
    %gt3A_10 = arith.cmpf ogt, %logistic3A_8, %gt3A_9 : vector<1758x1024xf32>
    %jit3A = arith.constant 0.000000e+00 : f32
    %broadcast_in_dim3A = vector.broadcast %jit3A : f32 to vector<1758x1024xf32>
    %select_n3A = arith.select %gt3A_10, %logistic3A_8, %broadcast_in_dim3A : vector<1758x1024xi1>, vector<1758x1024xf32>
    %iota3A = tpu.iota {dimensions = array<i32: 1>} : vector<1758x1024xi32>
    %iota3A_11 = tpu.iota {dimensions = array<i32: 0>} : vector<1758x1xi32>
    %reduce_max3A = arith.constant dense<0xFF800000> : vector<1758xf32>
    %reduce_max3A_12 = vector.multi_reduction <maximumf>, %select_n3A, %reduce_max3A [1] : vector<1758x1024xf32> to vector<1758xf32>
    %broadcast_in_dim3A_13 = vector.shape_cast %reduce_max3A_12 : vector<1758xf32> to vector<1758x1xf32>
    %eq3A = vector.broadcast %broadcast_in_dim3A_13 : vector<1758x1xf32> to vector<1758x1024xf32>
    %eq3A_14 = arith.cmpf oeq, %select_n3A, %eq3A : vector<1758x1024xf32>
    %jit3A_15 = arith.constant 1024 : i32
    %broadcast_in_dim3A_16 = vector.broadcast %jit3A_15 : i32 to vector<1758x1024xi32>
    %select_n3A_17 = arith.select %eq3A_14, %iota3A, %broadcast_in_dim3A_16 : vector<1758x1024xi1>, vector<1758x1024xi32>
    %reduce_min3A = arith.constant dense<2147483647> : vector<1758xi32>
    %reduce_min3A_18 = vector.multi_reduction <minsi>, %select_n3A_17, %reduce_min3A [1] : vector<1758x1024xi32> to vector<1758xi32>
    %broadcast_in_dim3A_19 = vector.shape_cast %reduce_min3A_18 : vector<1758xi32> to vector<1758x1xi32>
    %swap3A = arith.constant 0 : index
    %swap3A_20 = arith.constant 0 : index
    %swap3A_21 = arith.constant 0 : index
    %swap3A_22 = vector.load %arg2[%swap3A, %swap3A_20, %swap3A_21] : memref<1x1758x9xf32, #tpu.memory_space<vmem>>, vector<1x1758x1xf32>
    %swap3A_23 = vector.shape_cast %swap3A_22 : vector<1x1758x1xf32> to vector<1758x1xf32>
    %swap3A_24 = vector.shape_cast %broadcast_in_dim3A_13 : vector<1758x1xf32> to vector<1x1758x1xf32>
    tpu.vector_store %arg2[%swap3A, %swap3A_20, %swap3A_21], %swap3A_24 {strides = array<i32>} : memref<1x1758x9xf32, #tpu.memory_space<vmem>>, vector<1x1758x1xf32>,
    %mul3A = arith.constant 1024 : i32
    %mul3A_25 = vector.broadcast %mul3A : i32 to vector<1758x1xi32>
    %mul3A_26 = arith.muli %iota3A_11, %mul3A_25 : vector<1758x1xi32>
    %add3A = arith.addi %mul3A_26, %broadcast_in_dim3A_19 : vector<1758x1xi32>
    %swap3A_27 = arith.constant 0 : index
    %swap3A_28 = arith.constant 0 : index
    %swap3A_29 = arith.constant 0 : index
    %swap3A_30 = vector.load %arg3[%swap3A_27, %swap3A_28, %swap3A_29] : memref<1x1758x9xi32, #tpu.memory_space<vmem>>, vector<1x1758x1xi32>
    %swap3A_31 = vector.shape_cast %swap3A_30 : vector<1x1758x1xi32> to vector<1758x1xi32>
    %swap3A_32 = vector.shape_cast %add3A : vector<1758x1xi32> to vector<1x1758x1xi32>
    tpu.vector_store %arg3[%swap3A_27, %swap3A_28, %swap3A_29], %swap3A_32 {strides = array<i32>} : memref<1x1758x9xi32, #tpu.memory_space<vmem>>, vector<1x1758x1xi32>,
    %eq3A_33 = vector.broadcast %broadcast_in_dim3A_19 : vector<1758x1xi32> to vector<1758x1024xi32>
    %eq3A_34 = arith.cmpi eq, %iota3A, %eq3A_33 : vector<1758x1024xi32>
    %jit3A_35 = arith.constant 0.000000e+00 : f32
    %broadcast_in_dim3A_36 = vector.broadcast %jit3A_35 : f32 to vector<1758x1024xf32>
    %select_n3A_37 = arith.select %eq3A_34, %broadcast_in_dim3A_36, %select_n3A : vector<1758x1024xi1>, vector<1758x1024xf32>
    %reduce_max3A_38 = arith.constant dense<0xFF800000> : vector<1758xf32>
    %reduce_max3A_39 = vector.multi_reduction <maximumf>, %select_n3A_37, %reduce_max3A_38 [1] : vector<1758x1024xf32> to vector<1758xf32>
    %broadcast_in_dim3A_40 = vector.shape_cast %reduce_max3A_39 : vector<1758xf32> to vector<1758x1xf32>
    %eq3A_41 = vector.broadcast %broadcast_in_dim3A_40 : vector<1758x1xf32> to vector<1758x1024xf32>
    %eq3A_42 = arith.cmpf oeq, %select_n3A_37, %eq3A_41 : vector<1758x1024xf32>
    %jit3A_43 = arith.constant 1024 : i32
    %broadcast_in_dim3A_44 = vector.broadcast %jit3A_43 : i32 to vector<1758x1024xi32>
    %select_n3A_45 = arith.select %eq3A_42, %iota3A, %broadcast_in_dim3A_44 : vector<1758x1024xi1>, vector<1758x1024xi32>
    %reduce_min3A_46 = arith.constant dense<2147483647> : vector<1758xi32>
    %reduce_min3A_47 = vector.multi_reduction <minsi>, %select_n3A_45, %reduce_min3A_46 [1] : vector<1758x1024xi32> to vector<1758xi32>
    %broadcast_in_dim3A_48 = vector.shape_cast %reduce_min3A_47 : vector<1758xi32> to vector<1758x1xi32>
    %swap3A_49 = arith.constant 0 : index
    %swap3A_50 = arith.constant 0 : index
    %swap3A_51 = arith.constant 1 : index
    %swap3A_52 = vector.load %arg2[%swap3A_49, %swap3A_50, %swap3A_51] : memref<1x1758x9xf32, #tpu.memory_space<vmem>>, vector<1x1758x1xf32>
    %swap3A_53 = vector.shape_cast %swap3A_52 : vector<1x1758x1xf32> to vector<1758x1xf32>
    %swap3A_54 = vector.shape_cast %broadcast_in_dim3A_40 : vector<1758x1xf32> to vector<1x1758x1xf32>
    tpu.vector_store %arg2[%swap3A_49, %swap3A_50, %swap3A_51], %swap3A_54 {strides = array<i32>} : memref<1x1758x9xf32, #tpu.memory_space<vmem>>, vector<1x1758x1xf32>,
    %mul3A_55 = arith.constant 1024 : i32
    %mul3A_56 = vector.broadcast %mul3A_55 : i32 to vector<1758x1xi32>
    %mul3A_57 = arith.muli %iota3A_11, %mul3A_56 : vector<1758x1xi32>
    %add3A_58 = arith.addi %mul3A_57, %broadcast_in_dim3A_48 : vector<1758x1xi32>
    %swap3A_59 = arith.constant 0 : index
    %swap3A_60 = arith.constant 0 : index
    %swap3A_61 = arith.constant 1 : index
    %swap3A_62 = vector.load %arg3[%swap3A_59, %swap3A_60, %swap3A_61] : memref<1x1758x9xi32, #tpu.memory_space<vmem>>, vector<1x1758x1xi32>
    %swap3A_63 = vector.shape_cast %swap3A_62 : vector<1x1758x1xi32> to vector<1758x1xi32>
    %swap3A_64 = vector.shape_cast %add3A_58 : vector<1758x1xi32> to vector<1x1758x1xi32>
    tpu.vector_store %arg3[%swap3A_59, %swap3A_60, %swap3A_61], %swap3A_64 {strides = array<i32>} : memref<1x1758x9xi32, #tpu.memory_space<vmem>>, vector<1x1758x1xi32>,
    %eq3A_65 = vector.broadcast %broadcast_in_dim3A_48 : vector<1758x1xi32> to vector<1758x1024xi32>
    %eq3A_66 = arith.cmpi eq, %iota3A, %eq3A_65 : vector<1758x1024xi32>
    %jit3A_67 = arith.constant 0.000000e+00 : f32
    %broadcast_in_dim3A_68 = vector.broadcast %jit3A_67 : f32 to vector<1758x1024xf32>
    %select_n3A_69 = arith.select %eq3A_66, %broadcast_in_dim3A_68, %select_n3A_37 : vector<1758x1024xi1>, vector<1758x1024xf32>
    %reduce_max3A_70 = arith.constant dense<0xFF800000> : vector<1758xf32>
    %reduce_max3A_71 = vector.multi_reduction <maximumf>, %select_n3A_69, %reduce_max3A_70 [1] : vector<1758x1024xf32> to vector<1758xf32>
    %broadcast_in_dim3A_72 = vector.shape_cast %reduce_max3A_71 : vector<1758xf32> to vector<1758x1xf32>
    %eq3A_73 = vector.broadcast %broadcast_in_dim3A_72 : vector<1758x1xf32> to vector<1758x1024xf32>
    %eq3A_74 = arith.cmpf oeq, %select_n3A_69, %eq3A_73 : vector<1758x1024xf32>
    %jit3A_75 = arith.constant 1024 : i32
    %broadcast_in_dim3A_76 = vector.broadcast %jit3A_75 : i32 to vector<1758x1024xi32>
    %select_n3A_77 = arith.select %eq3A_74, %iota3A, %broadcast_in_dim3A_76 : vector<1758x1024xi1>, vector<1758x1024xi32>
    %reduce_min3A_78 = arith.constant dense<2147483647> : vector<1758xi32>
    %reduce_min3A_79 = vector.multi_reduction <minsi>, %select_n3A_77, %reduce_min3A_78 [1] : vector<1758x1024xi32> to vector<1758xi32>
    %broadcast_in_dim3A_80 = vector.shape_cast %reduce_min3A_79 : vector<1758xi32> to vector<1758x1xi32>
    %swap3A_81 = arith.constant 0 : index
    %swap3A_82 = arith.constant 0 : index
    %swap3A_83 = arith.constant 2 : index
    %swap3A_84 = vector.load %arg2[%swap3A_81, %swap3A_82, %swap3A_83] : memref<1x1758x9xf32, #tpu.memory_space<vmem>>, vector<1x1758x1xf32>
    %swap3A_85 = vector.shape_cast %swap3A_84 : vector<1x1758x1xf32> to vector<1758x1xf32>
    %swap3A_86 = vector.shape_cast %broadcast_in_dim3A_72 : vector<1758x1xf32> to vector<1x1758x1xf32>
    tpu.vector_store %arg2[%swap3A_81, %swap3A_82, %swap3A_83], %swap3A_86 {strides = array<i32>} : memref<1x1758x9xf32, #tpu.memory_space<vmem>>, vector<1x1758x1xf32>,
    %mul3A_87 = arith.constant 1024 : i32
    %mul3A_88 = vector.broadcast %mul3A_87 : i32 to vector<1758x1xi32>
    %mul3A_89 = arith.muli %iota3A_11, %mul3A_88 : vector<1758x1xi32>
    %add3A_90 = arith.addi %mul3A_89, %broadcast_in_dim3A_80 : vector<1758x1xi32>
    %swap3A_91 = arith.constant 0 : index
    %swap3A_92 = arith.constant 0 : index
    %swap3A_93 = arith.constant 2 : index
    %swap3A_94 = vector.load %arg3[%swap3A_91, %swap3A_92, %swap3A_93] : memref<1x1758x9xi32, #tpu.memory_space<vmem>>, vector<1x1758x1xi32>
    %swap3A_95 = vector.shape_cast %swap3A_94 : vector<1x1758x1xi32> to vector<1758x1xi32>
    %swap3A_96 = vector.shape_cast %add3A_90 : vector<1758x1xi32> to vector<1x1758x1xi32>
    tpu.vector_store %arg3[%swap3A_91, %swap3A_92, %swap3A_93], %swap3A_96 {strides = array<i32>} : memref<1x1758x9xi32, #tpu.memory_space<vmem>>, vector<1x1758x1xi32>,
    %eq3A_97 = vector.broadcast %broadcast_in_dim3A_80 : vector<1758x1xi32> to vector<1758x1024xi32>
    %eq3A_98 = arith.cmpi eq, %iota3A, %eq3A_97 : vector<1758x1024xi32>
    %jit3A_99 = arith.constant 0.000000e+00 : f32
    %broadcast_in_dim3A_100 = vector.broadcast %jit3A_99 : f32 to vector<1758x1024xf32>
    %select_n3A_101 = arith.select %eq3A_98, %broadcast_in_dim3A_100, %select_n3A_69 : vector<1758x1024xi1>, vector<1758x1024xf32>
    %reduce_max3A_102 = arith.constant dense<0xFF800000> : vector<1758xf32>
    %reduce_max3A_103 = vector.multi_reduction <maximumf>, %select_n3A_101, %reduce_max3A_102 [1] : vector<1758x1024xf32> to vector<1758xf32>
    %broadcast_in_dim3A_104 = vector.shape_cast %reduce_max3A_103 : vector<1758xf32> to vector<1758x1xf32>
    %eq3A_105 = vector.broadcast %broadcast_in_dim3A_104 : vector<1758x1xf32> to vector<1758x1024xf32>
    %eq3A_106 = arith.cmpf oeq, %select_n3A_101, %eq3A_105 : vector<1758x1024xf32>
    %jit3A_107 = arith.constant 1024 : i32
    %broadcast_in_dim3A_108 = vector.broadcast %jit3A_107 : i32 to vector<1758x1024xi32>
    %select_n3A_109 = arith.select %eq3A_106, %iota3A, %broadcast_in_dim3A_108 : vector<1758x1024xi1>, vector<1758x1024xi32>
    %reduce_min3A_110 = arith.constant dense<2147483647> : vector<1758xi32>
    %reduce_min3A_111 = vector.multi_reduction <minsi>, %select_n3A_109, %reduce_min3A_110 [1] : vector<1758x1024xi32> to vector<1758xi32>
    %broadcast_in_dim3A_112 = vector.shape_cast %reduce_min3A_111 : vector<1758xi32> to vector<1758x1xi32>
    %swap3A_113 = arith.constant 0 : index
    %swap3A_114 = arith.constant 0 : index
    %swap3A_115 = arith.constant 3 : index
    %swap3A_116 = vector.load %arg2[%swap3A_113, %swap3A_114, %swap3A_115] : memref<1x1758x9xf32, #tpu.memory_space<vmem>>, vector<1x1758x1xf32>
    %swap3A_117 = vector.shape_cast %swap3A_116 : vector<1x1758x1xf32> to vector<1758x1xf32>
    %swap3A_118 = vector.shape_cast %broadcast_in_dim3A_104 : vector<1758x1xf32> to vector<1x1758x1xf32>
    tpu.vector_store %arg2[%swap3A_113, %swap3A_114, %swap3A_115], %swap3A_118 {strides = array<i32>} : memref<1x1758x9xf32, #tpu.memory_space<vmem>>, vector<1x1758x1xf32>,
    %mul3A_119 = arith.constant 1024 : i32
    %mul3A_120 = vector.broadcast %mul3A_119 : i32 to vector<1758x1xi32>
    %mul3A_121 = arith.muli %iota3A_11, %mul3A_120 : vector<1758x1xi32>
    %add3A_122 = arith.addi %mul3A_121, %broadcast_in_dim3A_112 : vector<1758x1xi32>
    %swap3A_123 = arith.constant 0 : index
    %swap3A_124 = arith.constant 0 : index
    %swap3A_125 = arith.constant 3 : index
    %swap3A_126 = vector.load %arg3[%swap3A_123, %swap3A_124, %swap3A_125] : memref<1x1758x9xi32, #tpu.memory_space<vmem>>, vector<1x1758x1xi32>
    %swap3A_127 = vector.shape_cast %swap3A_126 : vector<1x1758x1xi32> to vector<1758x1xi32>
    %swap3A_128 = vector.shape_cast %add3A_122 : vector<1758x1xi32> to vector<1x1758x1xi32>
    tpu.vector_store %arg3[%swap3A_123, %swap3A_124, %swap3A_125], %swap3A_128 {strides = array<i32>} : memref<1x1758x9xi32, #tpu.memory_space<vmem>>, vector<1x1758x1xi32>,
    %eq3A_129 = vector.broadcast %broadcast_in_dim3A_112 : vector<1758x1xi32> to vector<1758x1024xi32>
    %eq3A_130 = arith.cmpi eq, %iota3A, %eq3A_129 : vector<1758x1024xi32>
    %jit3A_131 = arith.constant 0.000000e+00 : f32
    %broadcast_in_dim3A_132 = vector.broadcast %jit3A_131 : f32 to vector<1758x1024xf32>
    %select_n3A_133 = arith.select %eq3A_130, %broadcast_in_dim3A_132, %select_n3A_101 : vector<1758x1024xi1>, vector<1758x1024xf32>
    %reduce_max3A_134 = arith.constant dense<0xFF800000> : vector<1758xf32>
    %reduce_max3A_135 = vector.multi_reduction <maximumf>, %select_n3A_133, %reduce_max3A_134 [1] : vector<1758x1024xf32> to vector<1758xf32>
    %broadcast_in_dim3A_136 = vector.shape_cast %reduce_max3A_135 : vector<1758xf32> to vector<1758x1xf32>
    %eq3A_137 = vector.broadcast %broadcast_in_dim3A_136 : vector<1758x1xf32> to vector<1758x1024xf32>
    %eq3A_138 = arith.cmpf oeq, %select_n3A_133, %eq3A_137 : vector<1758x1024xf32>
    %jit3A_139 = arith.constant 1024 : i32
    %broadcast_in_dim3A_140 = vector.broadcast %jit3A_139 : i32 to vector<1758x1024xi32>
    %select_n3A_141 = arith.select %eq3A_138, %iota3A, %broadcast_in_dim3A_140 : vector<1758x1024xi1>, vector<1758x1024xi32>
    %reduce_min3A_142 = arith.constant dense<2147483647> : vector<1758xi32>
    %reduce_min3A_143 = vector.multi_reduction <minsi>, %select_n3A_141, %reduce_min3A_142 [1] : vector<1758x1024xi32> to vector<1758xi32>
    %broadcast_in_dim3A_144 = vector.shape_cast %reduce_min3A_143 : vector<1758xi32> to vector<1758x1xi32>
    %swap3A_145 = arith.constant 0 : index
    %swap3A_146 = arith.constant 0 : index
    %swap3A_147 = arith.constant 4 : index
    %swap3A_148 = vector.load %arg2[%swap3A_145, %swap3A_146, %swap3A_147] : memref<1x1758x9xf32, #tpu.memory_space<vmem>>, vector<1x1758x1xf32>
    %swap3A_149 = vector.shape_cast %swap3A_148 : vector<1x1758x1xf32> to vector<1758x1xf32>
    %swap3A_150 = vector.shape_cast %broadcast_in_dim3A_136 : vector<1758x1xf32> to vector<1x1758x1xf32>
    tpu.vector_store %arg2[%swap3A_145, %swap3A_146, %swap3A_147], %swap3A_150 {strides = array<i32>} : memref<1x1758x9xf32, #tpu.memory_space<vmem>>, vector<1x1758x1xf32>,
    %mul3A_151 = arith.constant 1024 : i32
    %mul3A_152 = vector.broadcast %mul3A_151 : i32 to vector<1758x1xi32>
    %mul3A_153 = arith.muli %iota3A_11, %mul3A_152 : vector<1758x1xi32>
    %add3A_154 = arith.addi %mul3A_153, %broadcast_in_dim3A_144 : vector<1758x1xi32>
    %swap3A_155 = arith.constant 0 : index
    %swap3A_156 = arith.constant 0 : index
    %swap3A_157 = arith.constant 4 : index
    %swap3A_158 = vector.load %arg3[%swap3A_155, %swap3A_156, %swap3A_157] : memref<1x1758x9xi32, #tpu.memory_space<vmem>>, vector<1x1758x1xi32>
    %swap3A_159 = vector.shape_cast %swap3A_158 : vector<1x1758x1xi32> to vector<1758x1xi32>
    %swap3A_160 = vector.shape_cast %add3A_154 : vector<1758x1xi32> to vector<1x1758x1xi32>
    tpu.vector_store %arg3[%swap3A_155, %swap3A_156, %swap3A_157], %swap3A_160 {strides = array<i32>} : memref<1x1758x9xi32, #tpu.memory_space<vmem>>, vector<1x1758x1xi32>,
    %eq3A_161 = vector.broadcast %broadcast_in_dim3A_144 : vector<1758x1xi32> to vector<1758x1024xi32>
    %eq3A_162 = arith.cmpi eq, %iota3A, %eq3A_161 : vector<1758x1024xi32>
    %jit3A_163 = arith.constant 0.000000e+00 : f32
    %broadcast_in_dim3A_164 = vector.broadcast %jit3A_163 : f32 to vector<1758x1024xf32>
    %select_n3A_165 = arith.select %eq3A_162, %broadcast_in_dim3A_164, %select_n3A_133 : vector<1758x1024xi1>, vector<1758x1024xf32>
    %reduce_max3A_166 = arith.constant dense<0xFF800000> : vector<1758xf32>
    %reduce_max3A_167 = vector.multi_reduction <maximumf>, %select_n3A_165, %reduce_max3A_166 [1] : vector<1758x1024xf32> to vector<1758xf32>
    %broadcast_in_dim3A_168 = vector.shape_cast %reduce_max3A_167 : vector<1758xf32> to vector<1758x1xf32>
    %eq3A_169 = vector.broadcast %broadcast_in_dim3A_168 : vector<1758x1xf32> to vector<1758x1024xf32>
    %eq3A_170 = arith.cmpf oeq, %select_n3A_165, %eq3A_169 : vector<1758x1024xf32>
    %jit3A_171 = arith.constant 1024 : i32
    %broadcast_in_dim3A_172 = vector.broadcast %jit3A_171 : i32 to vector<1758x1024xi32>
    %select_n3A_173 = arith.select %eq3A_170, %iota3A, %broadcast_in_dim3A_172 : vector<1758x1024xi1>, vector<1758x1024xi32>
    %reduce_min3A_174 = arith.constant dense<2147483647> : vector<1758xi32>
    %reduce_min3A_175 = vector.multi_reduction <minsi>, %select_n3A_173, %reduce_min3A_174 [1] : vector<1758x1024xi32> to vector<1758xi32>
    %broadcast_in_dim3A_176 = vector.shape_cast %reduce_min3A_175 : vector<1758xi32> to vector<1758x1xi32>
    %swap3A_177 = arith.constant 0 : index
    %swap3A_178 = arith.constant 0 : index
    %swap3A_179 = arith.constant 5 : index
    %swap3A_180 = vector.load %arg2[%swap3A_177, %swap3A_178, %swap3A_179] : memref<1x1758x9xf32, #tpu.memory_space<vmem>>, vector<1x1758x1xf32>
    %swap3A_181 = vector.shape_cast %swap3A_180 : vector<1x1758x1xf32> to vector<1758x1xf32>
    %swap3A_182 = vector.shape_cast %broadcast_in_dim3A_168 : vector<1758x1xf32> to vector<1x1758x1xf32>
    tpu.vector_store %arg2[%swap3A_177, %swap3A_178, %swap3A_179], %swap3A_182 {strides = array<i32>} : memref<1x1758x9xf32, #tpu.memory_space<vmem>>, vector<1x1758x1xf32>,
    %mul3A_183 = arith.constant 1024 : i32
    %mul3A_184 = vector.broadcast %mul3A_183 : i32 to vector<1758x1xi32>
    %mul3A_185 = arith.muli %iota3A_11, %mul3A_184 : vector<1758x1xi32>
    %add3A_186 = arith.addi %mul3A_185, %broadcast_in_dim3A_176 : vector<1758x1xi32>
    %swap3A_187 = arith.constant 0 : index
    %swap3A_188 = arith.constant 0 : index
    %swap3A_189 = arith.constant 5 : index
    %swap3A_190 = vector.load %arg3[%swap3A_187, %swap3A_188, %swap3A_189] : memref<1x1758x9xi32, #tpu.memory_space<vmem>>, vector<1x1758x1xi32>
    %swap3A_191 = vector.shape_cast %swap3A_190 : vector<1x1758x1xi32> to vector<1758x1xi32>
    %swap3A_192 = vector.shape_cast %add3A_186 : vector<1758x1xi32> to vector<1x1758x1xi32>
    tpu.vector_store %arg3[%swap3A_187, %swap3A_188, %swap3A_189], %swap3A_192 {strides = array<i32>} : memref<1x1758x9xi32, #tpu.memory_space<vmem>>, vector<1x1758x1xi32>,
    %eq3A_193 = vector.broadcast %broadcast_in_dim3A_176 : vector<1758x1xi32> to vector<1758x1024xi32>
    %eq3A_194 = arith.cmpi eq, %iota3A, %eq3A_193 : vector<1758x1024xi32>
    %jit3A_195 = arith.constant 0.000000e+00 : f32
    %broadcast_in_dim3A_196 = vector.broadcast %jit3A_195 : f32 to vector<1758x1024xf32>
    %select_n3A_197 = arith.select %eq3A_194, %broadcast_in_dim3A_196, %select_n3A_165 : vector<1758x1024xi1>, vector<1758x1024xf32>
    %reduce_max3A_198 = arith.constant dense<0xFF800000> : vector<1758xf32>
    %reduce_max3A_199 = vector.multi_reduction <maximumf>, %select_n3A_197, %reduce_max3A_198 [1] : vector<1758x1024xf32> to vector<1758xf32>
    %broadcast_in_dim3A_200 = vector.shape_cast %reduce_max3A_199 : vector<1758xf32> to vector<1758x1xf32>
    %eq3A_201 = vector.broadcast %broadcast_in_dim3A_200 : vector<1758x1xf32> to vector<1758x1024xf32>
    %eq3A_202 = arith.cmpf oeq, %select_n3A_197, %eq3A_201 : vector<1758x1024xf32>
    %jit3A_203 = arith.constant 1024 : i32
    %broadcast_in_dim3A_204 = vector.broadcast %jit3A_203 : i32 to vector<1758x1024xi32>
    %select_n3A_205 = arith.select %eq3A_202, %iota3A, %broadcast_in_dim3A_204 : vector<1758x1024xi1>, vector<1758x1024xi32>
    %reduce_min3A_206 = arith.constant dense<2147483647> : vector<1758xi32>
    %reduce_min3A_207 = vector.multi_reduction <minsi>, %select_n3A_205, %reduce_min3A_206 [1] : vector<1758x1024xi32> to vector<1758xi32>
    %broadcast_in_dim3A_208 = vector.shape_cast %reduce_min3A_207 : vector<1758xi32> to vector<1758x1xi32>
    %swap3A_209 = arith.constant 0 : index
    %swap3A_210 = arith.constant 0 : index
    %swap3A_211 = arith.constant 6 : index
    %swap3A_212 = vector.load %arg2[%swap3A_209, %swap3A_210, %swap3A_211] : memref<1x1758x9xf32, #tpu.memory_space<vmem>>, vector<1x1758x1xf32>
    %swap3A_213 = vector.shape_cast %swap3A_212 : vector<1x1758x1xf32> to vector<1758x1xf32>
    %swap3A_214 = vector.shape_cast %broadcast_in_dim3A_200 : vector<1758x1xf32> to vector<1x1758x1xf32>
    tpu.vector_store %arg2[%swap3A_209, %swap3A_210, %swap3A_211], %swap3A_214 {strides = array<i32>} : memref<1x1758x9xf32, #tpu.memory_space<vmem>>, vector<1x1758x1xf32>,
    %mul3A_215 = arith.constant 1024 : i32
    %mul3A_216 = vector.broadcast %mul3A_215 : i32 to vector<1758x1xi32>
    %mul3A_217 = arith.muli %iota3A_11, %mul3A_216 : vector<1758x1xi32>
    %add3A_218 = arith.addi %mul3A_217, %broadcast_in_dim3A_208 : vector<1758x1xi32>
    %swap3A_219 = arith.constant 0 : index
    %swap3A_220 = arith.constant 0 : index
    %swap3A_221 = arith.constant 6 : index
    %swap3A_222 = vector.load %arg3[%swap3A_219, %swap3A_220, %swap3A_221] : memref<1x1758x9xi32, #tpu.memory_space<vmem>>, vector<1x1758x1xi32>
    %swap3A_223 = vector.shape_cast %swap3A_222 : vector<1x1758x1xi32> to vector<1758x1xi32>
    %swap3A_224 = vector.shape_cast %add3A_218 : vector<1758x1xi32> to vector<1x1758x1xi32>
    tpu.vector_store %arg3[%swap3A_219, %swap3A_220, %swap3A_221], %swap3A_224 {strides = array<i32>} : memref<1x1758x9xi32, #tpu.memory_space<vmem>>, vector<1x1758x1xi32>,
    %eq3A_225 = vector.broadcast %broadcast_in_dim3A_208 : vector<1758x1xi32> to vector<1758x1024xi32>
    %eq3A_226 = arith.cmpi eq, %iota3A, %eq3A_225 : vector<1758x1024xi32>
    %jit3A_227 = arith.constant 0.000000e+00 : f32
    %broadcast_in_dim3A_228 = vector.broadcast %jit3A_227 : f32 to vector<1758x1024xf32>
    %select_n3A_229 = arith.select %eq3A_226, %broadcast_in_dim3A_228, %select_n3A_197 : vector<1758x1024xi1>, vector<1758x1024xf32>
    %reduce_max3A_230 = arith.constant dense<0xFF800000> : vector<1758xf32>
    %reduce_max3A_231 = vector.multi_reduction <maximumf>, %select_n3A_229, %reduce_max3A_230 [1] : vector<1758x1024xf32> to vector<1758xf32>
    %broadcast_in_dim3A_232 = vector.shape_cast %reduce_max3A_231 : vector<1758xf32> to vector<1758x1xf32>
    %eq3A_233 = vector.broadcast %broadcast_in_dim3A_232 : vector<1758x1xf32> to vector<1758x1024xf32>
    %eq3A_234 = arith.cmpf oeq, %select_n3A_229, %eq3A_233 : vector<1758x1024xf32>
    %jit3A_235 = arith.constant 1024 : i32
    %broadcast_in_dim3A_236 = vector.broadcast %jit3A_235 : i32 to vector<1758x1024xi32>
    %select_n3A_237 = arith.select %eq3A_234, %iota3A, %broadcast_in_dim3A_236 : vector<1758x1024xi1>, vector<1758x1024xi32>
    %reduce_min3A_238 = arith.constant dense<2147483647> : vector<1758xi32>
    %reduce_min3A_239 = vector.multi_reduction <minsi>, %select_n3A_237, %reduce_min3A_238 [1] : vector<1758x1024xi32> to vector<1758xi32>
    %broadcast_in_dim3A_240 = vector.shape_cast %reduce_min3A_239 : vector<1758xi32> to vector<1758x1xi32>
    %swap3A_241 = arith.constant 0 : index
    %swap3A_242 = arith.constant 0 : index
    %swap3A_243 = arith.constant 7 : index
    %swap3A_244 = vector.load %arg2[%swap3A_241, %swap3A_242, %swap3A_243] : memref<1x1758x9xf32, #tpu.memory_space<vmem>>, vector<1x1758x1xf32>
    %swap3A_245 = vector.shape_cast %swap3A_244 : vector<1x1758x1xf32> to vector<1758x1xf32>
    %swap3A_246 = vector.shape_cast %broadcast_in_dim3A_232 : vector<1758x1xf32> to vector<1x1758x1xf32>
    tpu.vector_store %arg2[%swap3A_241, %swap3A_242, %swap3A_243], %swap3A_246 {strides = array<i32>} : memref<1x1758x9xf32, #tpu.memory_space<vmem>>, vector<1x1758x1xf32>,
    %mul3A_247 = arith.constant 1024 : i32
    %mul3A_248 = vector.broadcast %mul3A_247 : i32 to vector<1758x1xi32>
    %mul3A_249 = arith.muli %iota3A_11, %mul3A_248 : vector<1758x1xi32>
    %add3A_250 = arith.addi %mul3A_249, %broadcast_in_dim3A_240 : vector<1758x1xi32>
    %swap3A_251 = arith.constant 0 : index
    %swap3A_252 = arith.constant 0 : index
    %swap3A_253 = arith.constant 7 : index
    %swap3A_254 = vector.load %arg3[%swap3A_251, %swap3A_252, %swap3A_253] : memref<1x1758x9xi32, #tpu.memory_space<vmem>>, vector<1x1758x1xi32>
    %swap3A_255 = vector.shape_cast %swap3A_254 : vector<1x1758x1xi32> to vector<1758x1xi32>
    %swap3A_256 = vector.shape_cast %add3A_250 : vector<1758x1xi32> to vector<1x1758x1xi32>
    tpu.vector_store %arg3[%swap3A_251, %swap3A_252, %swap3A_253], %swap3A_256 {strides = array<i32>} : memref<1x1758x9xi32, #tpu.memory_space<vmem>>, vector<1x1758x1xi32>,
    %eq3A_257 = vector.broadcast %broadcast_in_dim3A_240 : vector<1758x1xi32> to vector<1758x1024xi32>
    %eq3A_258 = arith.cmpi eq, %iota3A, %eq3A_257 : vector<1758x1024xi32>
    %jit3A_259 = arith.constant 0.000000e+00 : f32
    %broadcast_in_dim3A_260 = vector.broadcast %jit3A_259 : f32 to vector<1758x1024xf32>
    %select_n3A_261 = arith.select %eq3A_258, %broadcast_in_dim3A_260, %select_n3A_229 : vector<1758x1024xi1>, vector<1758x1024xf32>
    %reduce_max3A_262 = arith.constant dense<0xFF800000> : vector<1758xf32>
    %reduce_max3A_263 = vector.multi_reduction <maximumf>, %select_n3A_261, %reduce_max3A_262 [1] : vector<1758x1024xf32> to vector<1758xf32>
    %broadcast_in_dim3A_264 = vector.shape_cast %reduce_max3A_263 : vector<1758xf32> to vector<1758x1xf32>
    %eq3A_265 = vector.broadcast %broadcast_in_dim3A_264 : vector<1758x1xf32> to vector<1758x1024xf32>
    %eq3A_266 = arith.cmpf oeq, %select_n3A_261, %eq3A_265 : vector<1758x1024xf32>
    %jit3A_267 = arith.constant 1024 : i32
    %broadcast_in_dim3A_268 = vector.broadcast %jit3A_267 : i32 to vector<1758x1024xi32>
    %select_n3A_269 = arith.select %eq3A_266, %iota3A, %broadcast_in_dim3A_268 : vector<1758x1024xi1>, vector<1758x1024xi32>
    %reduce_min3A_270 = arith.constant dense<2147483647> : vector<1758xi32>
    %reduce_min3A_271 = vector.multi_reduction <minsi>, %select_n3A_269, %reduce_min3A_270 [1] : vector<1758x1024xi32> to vector<1758xi32>
    %broadcast_in_dim3A_272 = vector.shape_cast %reduce_min3A_271 : vector<1758xi32> to vector<1758x1xi32>
    %swap3A_273 = arith.constant 0 : index
    %swap3A_274 = arith.constant 0 : index
    %swap3A_275 = arith.constant 8 : index
    %swap3A_276 = vector.load %arg2[%swap3A_273, %swap3A_274, %swap3A_275] : memref<1x1758x9xf32, #tpu.memory_space<vmem>>, vector<1x1758x1xf32>
    %swap3A_277 = vector.shape_cast %swap3A_276 : vector<1x1758x1xf32> to vector<1758x1xf32>
    %swap3A_278 = vector.shape_cast %broadcast_in_dim3A_264 : vector<1758x1xf32> to vector<1x1758x1xf32>
    tpu.vector_store %arg2[%swap3A_273, %swap3A_274, %swap3A_275], %swap3A_278 {strides = array<i32>} : memref<1x1758x9xf32, #tpu.memory_space<vmem>>, vector<1x1758x1xf32>,
    %mul3A_279 = arith.constant 1024 : i32
    %mul3A_280 = vector.broadcast %mul3A_279 : i32 to vector<1758x1xi32>
    %mul3A_281 = arith.muli %iota3A_11, %mul3A_280 : vector<1758x1xi32>
    %add3A_282 = arith.addi %mul3A_281, %broadcast_in_dim3A_272 : vector<1758x1xi32>
    %swap3A_283 = arith.constant 0 : index
    %swap3A_284 = arith.constant 0 : index
    %swap3A_285 = arith.constant 8 : index
    %swap3A_286 = vector.load %arg3[%swap3A_283, %swap3A_284, %swap3A_285] : memref<1x1758x9xi32, #tpu.memory_space<vmem>>, vector<1x1758x1xi32>
    %swap3A_287 = vector.shape_cast %swap3A_286 : vector<1x1758x1xi32> to vector<1758x1xi32>
    %swap3A_288 = vector.shape_cast %add3A_282 : vector<1758x1xi32> to vector<1x1758x1xi32>
    tpu.vector_store %arg3[%swap3A_283, %swap3A_284, %swap3A_285], %swap3A_288 {strides = array<i32>} : memref<1x1758x9xi32, #tpu.memory_space<vmem>>, vector<1x1758x1xi32>,
    return
  }
  func.func @transform_0(%arg0: i32) -> (i32, i32, i32) {
    %c0_i32 = arith.constant 0 : i32
    %c0_i32_0 = arith.constant 0 : i32
    %c0_i32_1 = arith.constant 0 : i32
    return %arg0, %c0_i32, %c0_i32_0 : i32, i32, i32
  }
  func.func @transform_1(%arg0: i32) -> (i32, i32, i32) {
    %c0_i32 = arith.constant 0 : i32
    %c0_i32_0 = arith.constant 0 : i32
    %c0_i32_1 = arith.constant 0 : i32
    return %arg0, %c0_i32, %c0_i32_0 : i32, i32, i32
  }
  func.func @transform_2(%arg0: i32) -> (i32, i32, i32) {
    %c0_i32 = arith.constant 0 : i32
    %c0_i32_0 = arith.constant 0 : i32
    %c0_i32_1 = arith.constant 0 : i32
    return %arg0, %c0_i32, %c0_i32_0 : i32, i32, i32
  }
}

module attributes {stable_mosaic.version = 14 : i64} {
  func.func @_nms_body(%arg0: i32, %arg1: memref<1x8x1024xf32, #tpu.memory_space<vmem>>, %arg2: memref<1x1024x8xf32, #tpu.memory_space<vmem>>, %arg3: memref<1x1x1024xf32, #tpu.memory_space<vmem>>, %arg4: memref<1x1024x1xf32, #tpu.memory_space<vmem>>, %arg5: memref<1x1024x4xf32, #tpu.memory_space<vmem>>, %arg6: memref<1x1x1024xf32, #tpu.memory_space<vmem>>, %arg7: memref<1024x1024xf32, #tpu.memory_space<vmem>>) attributes {dimension_semantics = [#tpu.dimension_semantics<parallel>], iteration_bounds = array<i64: 2>, scalar_prefetch = 0 : i64, scratch_operands = 1 : i64, tpu.core_type = #tpu.core_type<tc>, window_params = [{transform_indices = @transform_0, window_bounds = array<i64: 1, 8, 1024>}, {transform_indices = @transform_1, window_bounds = array<i64: 1, 1024, 8>}, {transform_indices = @transform_2, window_bounds = array<i64: 1, 1, 1024>}, {transform_indices = @transform_3, window_bounds = array<i64: 1, 1024, 1>}, {transform_indices = @transform_4, window_bounds = array<i64: 1, 1024, 4>}, {transform_indices = @transform_5, window_bounds = array<i64: 1, 1, 1024>}]} {
    %get3A = arith.constant 0 : index
    %get3A_0 = arith.constant 0 : index
    %get3A_1 = arith.constant 0 : index
    %get3A_2 = vector.load %arg1[%get3A, %get3A_0, %get3A_1] : memref<1x8x1024xf32, #tpu.memory_space<vmem>>, vector<1x1x1024xf32>
    %get3A_3 = vector.shape_cast %get3A_2 : vector<1x1x1024xf32> to vector<1x1024xf32>
    %get3A_4 = arith.constant 0 : index
    %get3A_5 = arith.constant 1 : index
    %get3A_6 = arith.constant 0 : index
    %get3A_7 = vector.load %arg1[%get3A_4, %get3A_5, %get3A_6] : memref<1x8x1024xf32, #tpu.memory_space<vmem>>, vector<1x1x1024xf32>
    %get3A_8 = vector.shape_cast %get3A_7 : vector<1x1x1024xf32> to vector<1x1024xf32>
    %get3A_9 = arith.constant 0 : index
    %get3A_10 = arith.constant 2 : index
    %get3A_11 = arith.constant 0 : index
    %get3A_12 = vector.load %arg1[%get3A_9, %get3A_10, %get3A_11] : memref<1x8x1024xf32, #tpu.memory_space<vmem>>, vector<1x1x1024xf32>
    %get3A_13 = vector.shape_cast %get3A_12 : vector<1x1x1024xf32> to vector<1x1024xf32>
    %get3A_14 = arith.constant 0 : index
    %get3A_15 = arith.constant 3 : index
    %get3A_16 = arith.constant 0 : index
    %get3A_17 = vector.load %arg1[%get3A_14, %get3A_15, %get3A_16] : memref<1x8x1024xf32, #tpu.memory_space<vmem>>, vector<1x1x1024xf32>
    %get3A_18 = vector.shape_cast %get3A_17 : vector<1x1x1024xf32> to vector<1x1024xf32>
    %get3A_19 = arith.constant 0 : index
    %get3A_20 = arith.constant 4 : index
    %get3A_21 = arith.constant 0 : index
    %get3A_22 = vector.load %arg1[%get3A_19, %get3A_20, %get3A_21] : memref<1x8x1024xf32, #tpu.memory_space<vmem>>, vector<1x1x1024xf32>
    %get3A_23 = vector.shape_cast %get3A_22 : vector<1x1x1024xf32> to vector<1x1024xf32>
    %get3A_24 = arith.constant 0 : index
    %get3A_25 = arith.constant 5 : index
    %get3A_26 = arith.constant 0 : index
    %get3A_27 = vector.load %arg1[%get3A_24, %get3A_25, %get3A_26] : memref<1x8x1024xf32, #tpu.memory_space<vmem>>, vector<1x1x1024xf32>
    %get3A_28 = vector.shape_cast %get3A_27 : vector<1x1x1024xf32> to vector<1x1024xf32>
    %get3A_29 = arith.constant 0 : index
    %get3A_30 = arith.constant 6 : index
    %get3A_31 = arith.constant 0 : index
    %get3A_32 = vector.load %arg1[%get3A_29, %get3A_30, %get3A_31] : memref<1x8x1024xf32, #tpu.memory_space<vmem>>, vector<1x1x1024xf32>
    %get3A_33 = vector.shape_cast %get3A_32 : vector<1x1x1024xf32> to vector<1x1024xf32>
    %get3A_34 = arith.constant 0 : index
    %get3A_35 = arith.constant 7 : index
    %get3A_36 = arith.constant 0 : index
    %get3A_37 = vector.load %arg1[%get3A_34, %get3A_35, %get3A_36] : memref<1x8x1024xf32, #tpu.memory_space<vmem>>, vector<1x1x1024xf32>
    %get3A_38 = vector.shape_cast %get3A_37 : vector<1x1x1024xf32> to vector<1x1024xf32>
    %get3A_39 = arith.constant 0 : index
    %get3A_40 = arith.constant 0 : index
    %get3A_41 = arith.constant 0 : index
    %get3A_42 = vector.load %arg2[%get3A_39, %get3A_40, %get3A_41] : memref<1x1024x8xf32, #tpu.memory_space<vmem>>, vector<1x1024x1xf32>
    %get3A_43 = vector.shape_cast %get3A_42 : vector<1x1024x1xf32> to vector<1024x1xf32>
    %get3A_44 = arith.constant 0 : index
    %get3A_45 = arith.constant 0 : index
    %get3A_46 = arith.constant 1 : index
    %get3A_47 = vector.load %arg2[%get3A_44, %get3A_45, %get3A_46] : memref<1x1024x8xf32, #tpu.memory_space<vmem>>, vector<1x1024x1xf32>
    %get3A_48 = vector.shape_cast %get3A_47 : vector<1x1024x1xf32> to vector<1024x1xf32>
    %get3A_49 = arith.constant 0 : index
    %get3A_50 = arith.constant 0 : index
    %get3A_51 = arith.constant 2 : index
    %get3A_52 = vector.load %arg2[%get3A_49, %get3A_50, %get3A_51] : memref<1x1024x8xf32, #tpu.memory_space<vmem>>, vector<1x1024x1xf32>
    %get3A_53 = vector.shape_cast %get3A_52 : vector<1x1024x1xf32> to vector<1024x1xf32>
    %get3A_54 = arith.constant 0 : index
    %get3A_55 = arith.constant 0 : index
    %get3A_56 = arith.constant 3 : index
    %get3A_57 = vector.load %arg2[%get3A_54, %get3A_55, %get3A_56] : memref<1x1024x8xf32, #tpu.memory_space<vmem>>, vector<1x1024x1xf32>
    %get3A_58 = vector.shape_cast %get3A_57 : vector<1x1024x1xf32> to vector<1024x1xf32>
    %get3A_59 = arith.constant 0 : index
    %get3A_60 = arith.constant 0 : index
    %get3A_61 = arith.constant 4 : index
    %get3A_62 = vector.load %arg2[%get3A_59, %get3A_60, %get3A_61] : memref<1x1024x8xf32, #tpu.memory_space<vmem>>, vector<1x1024x1xf32>
    %get3A_63 = vector.shape_cast %get3A_62 : vector<1x1024x1xf32> to vector<1024x1xf32>
    %get3A_64 = arith.constant 0 : index
    %get3A_65 = arith.constant 0 : index
    %get3A_66 = arith.constant 5 : index
    %get3A_67 = vector.load %arg2[%get3A_64, %get3A_65, %get3A_66] : memref<1x1024x8xf32, #tpu.memory_space<vmem>>, vector<1x1024x1xf32>
    %get3A_68 = vector.shape_cast %get3A_67 : vector<1x1024x1xf32> to vector<1024x1xf32>
    %get3A_69 = arith.constant 0 : index
    %get3A_70 = arith.constant 0 : index
    %get3A_71 = arith.constant 6 : index
    %get3A_72 = vector.load %arg2[%get3A_69, %get3A_70, %get3A_71] : memref<1x1024x8xf32, #tpu.memory_space<vmem>>, vector<1x1024x1xf32>
    %get3A_73 = vector.shape_cast %get3A_72 : vector<1x1024x1xf32> to vector<1024x1xf32>
    %get3A_74 = arith.constant 0 : index
    %get3A_75 = arith.constant 0 : index
    %get3A_76 = arith.constant 7 : index
    %get3A_77 = vector.load %arg2[%get3A_74, %get3A_75, %get3A_76] : memref<1x1024x8xf32, #tpu.memory_space<vmem>>, vector<1x1024x1xf32>
    %get3A_78 = vector.shape_cast %get3A_77 : vector<1x1024x1xf32> to vector<1024x1xf32>
    %sub3A = arith.subf %get3A_33, %get3A_23 : vector<1x1024xf32>
    %add3A = arith.constant 1.000000e+00 : f32
    %add3A_79 = vector.broadcast %add3A : f32 to vector<1x1024xf32>
    %add3A_80 = arith.addf %sub3A, %add3A_79 : vector<1x1024xf32>
    %sub3A_81 = arith.subf %get3A_38, %get3A_28 : vector<1x1024xf32>
    %add3A_82 = arith.constant 1.000000e+00 : f32
    %add3A_83 = vector.broadcast %add3A_82 : f32 to vector<1x1024xf32>
    %add3A_84 = arith.addf %sub3A_81, %add3A_83 : vector<1x1024xf32>
    %mul3A = arith.constant 5.000000e-01 : f32
    %mul3A_85 = vector.broadcast %mul3A : f32 to vector<1x1024xf32>
    %mul3A_86 = arith.mulf %mul3A_85, %add3A_80 : vector<1x1024xf32>
    %add3A_87 = arith.addf %get3A_23, %mul3A_86 : vector<1x1024xf32>
    %mul3A_88 = arith.constant 5.000000e-01 : f32
    %mul3A_89 = vector.broadcast %mul3A_88 : f32 to vector<1x1024xf32>
    %mul3A_90 = arith.mulf %mul3A_89, %add3A_84 : vector<1x1024xf32>
    %add3A_91 = arith.addf %get3A_28, %mul3A_90 : vector<1x1024xf32>
    %div3A = arith.constant 1.000000e+01 : f32
    %div3A_92 = vector.broadcast %div3A : f32 to vector<1x1024xf32>
    %div3A_93 = arith.divf %get3A_3, %div3A_92 : vector<1x1024xf32>
    %div3A_94 = arith.constant 1.000000e+01 : f32
    %div3A_95 = vector.broadcast %div3A_94 : f32 to vector<1x1024xf32>
    %div3A_96 = arith.divf %get3A_8, %div3A_95 : vector<1x1024xf32>
    %div3A_97 = arith.constant 5.000000e+00 : f32
    %div3A_98 = vector.broadcast %div3A_97 : f32 to vector<1x1024xf32>
    %div3A_99 = arith.divf %get3A_13, %div3A_98 : vector<1x1024xf32>
    %min3A = arith.constant 4.13516665 : f32
    %min3A_100 = vector.broadcast %min3A : f32 to vector<1x1024xf32>
    %min3A_101 = arith.minimumf %div3A_99, %min3A_100 : vector<1x1024xf32>
    %div3A_102 = arith.constant 5.000000e+00 : f32
    %div3A_103 = vector.broadcast %div3A_102 : f32 to vector<1x1024xf32>
    %div3A_104 = arith.divf %get3A_18, %div3A_103 : vector<1x1024xf32>
    %min3A_105 = arith.constant 4.13516665 : f32
    %min3A_106 = vector.broadcast %min3A_105 : f32 to vector<1x1024xf32>
    %min3A_107 = arith.minimumf %div3A_104, %min3A_106 : vector<1x1024xf32>
    %mul3A_108 = arith.mulf %div3A_93, %add3A_80 : vector<1x1024xf32>
    %add3A_109 = arith.addf %mul3A_108, %add3A_87 : vector<1x1024xf32>
    %mul3A_110 = arith.mulf %div3A_96, %add3A_84 : vector<1x1024xf32>
    %add3A_111 = arith.addf %mul3A_110, %add3A_91 : vector<1x1024xf32>
    %exp3A = math.exp %min3A_101 : vector<1x1024xf32>
    %mul3A_112 = arith.mulf %exp3A, %add3A_80 : vector<1x1024xf32>
    %exp3A_113 = math.exp %min3A_107 : vector<1x1024xf32>
    %mul3A_114 = arith.mulf %exp3A_113, %add3A_84 : vector<1x1024xf32>
    %sub3A_115 = arith.constant 1.000000e+00 : f32
    %sub3A_116 = vector.broadcast %sub3A_115 : f32 to vector<1x1024xf32>
    %sub3A_117 = arith.subf %mul3A_112, %sub3A_116 : vector<1x1024xf32>
    %mul3A_118 = arith.constant 5.000000e-01 : f32
    %mul3A_119 = vector.broadcast %mul3A_118 : f32 to vector<1x1024xf32>
    %mul3A_120 = arith.mulf %mul3A_119, %sub3A_117 : vector<1x1024xf32>
    %sub3A_121 = arith.subf %add3A_109, %mul3A_120 : vector<1x1024xf32>
    %jit3A = arith.constant 0.000000e+00 : f32
    %jit3A_122 = arith.constant 7.990000e+02 : f32
    %max3A = vector.broadcast %jit3A : f32 to vector<1x1024xf32>
    %max3A_123 = arith.maximumf %max3A, %sub3A_121 : vector<1x1024xf32>
    %min3A_124 = vector.broadcast %jit3A_122 : f32 to vector<1x1024xf32>
    %min3A_125 = arith.minimumf %min3A_124, %max3A_123 : vector<1x1024xf32>
    %sub3A_126 = arith.constant 1.000000e+00 : f32
    %sub3A_127 = vector.broadcast %sub3A_126 : f32 to vector<1x1024xf32>
    %sub3A_128 = arith.subf %mul3A_114, %sub3A_127 : vector<1x1024xf32>
    %mul3A_129 = arith.constant 5.000000e-01 : f32
    %mul3A_130 = vector.broadcast %mul3A_129 : f32 to vector<1x1024xf32>
    %mul3A_131 = arith.mulf %mul3A_130, %sub3A_128 : vector<1x1024xf32>
    %sub3A_132 = arith.subf %add3A_111, %mul3A_131 : vector<1x1024xf32>
    %jit3A_133 = arith.constant 0.000000e+00 : f32
    %jit3A_134 = arith.constant 7.990000e+02 : f32
    %max3A_135 = vector.broadcast %jit3A_133 : f32 to vector<1x1024xf32>
    %max3A_136 = arith.maximumf %max3A_135, %sub3A_132 : vector<1x1024xf32>
    %min3A_137 = vector.broadcast %jit3A_134 : f32 to vector<1x1024xf32>
    %min3A_138 = arith.minimumf %min3A_137, %max3A_136 : vector<1x1024xf32>
    %sub3A_139 = arith.constant 1.000000e+00 : f32
    %sub3A_140 = vector.broadcast %sub3A_139 : f32 to vector<1x1024xf32>
    %sub3A_141 = arith.subf %mul3A_112, %sub3A_140 : vector<1x1024xf32>
    %mul3A_142 = arith.constant 5.000000e-01 : f32
    %mul3A_143 = vector.broadcast %mul3A_142 : f32 to vector<1x1024xf32>
    %mul3A_144 = arith.mulf %mul3A_143, %sub3A_141 : vector<1x1024xf32>
    %add3A_145 = arith.addf %add3A_109, %mul3A_144 : vector<1x1024xf32>
    %jit3A_146 = arith.constant 0.000000e+00 : f32
    %jit3A_147 = arith.constant 7.990000e+02 : f32
    %max3A_148 = vector.broadcast %jit3A_146 : f32 to vector<1x1024xf32>
    %max3A_149 = arith.maximumf %max3A_148, %add3A_145 : vector<1x1024xf32>
    %min3A_150 = vector.broadcast %jit3A_147 : f32 to vector<1x1024xf32>
    %min3A_151 = arith.minimumf %min3A_150, %max3A_149 : vector<1x1024xf32>
    %sub3A_152 = arith.constant 1.000000e+00 : f32
    %sub3A_153 = vector.broadcast %sub3A_152 : f32 to vector<1x1024xf32>
    %sub3A_154 = arith.subf %mul3A_114, %sub3A_153 : vector<1x1024xf32>
    %mul3A_155 = arith.constant 5.000000e-01 : f32
    %mul3A_156 = vector.broadcast %mul3A_155 : f32 to vector<1x1024xf32>
    %mul3A_157 = arith.mulf %mul3A_156, %sub3A_154 : vector<1x1024xf32>
    %add3A_158 = arith.addf %add3A_111, %mul3A_157 : vector<1x1024xf32>
    %jit3A_159 = arith.constant 0.000000e+00 : f32
    %jit3A_160 = arith.constant 7.990000e+02 : f32
    %max3A_161 = vector.broadcast %jit3A_159 : f32 to vector<1x1024xf32>
    %max3A_162 = arith.maximumf %max3A_161, %add3A_158 : vector<1x1024xf32>
    %min3A_163 = vector.broadcast %jit3A_160 : f32 to vector<1x1024xf32>
    %min3A_164 = arith.minimumf %min3A_163, %max3A_162 : vector<1x1024xf32>
    %sub3A_165 = arith.subf %get3A_73, %get3A_63 : vector<1024x1xf32>
    %add3A_166 = arith.constant 1.000000e+00 : f32
    %add3A_167 = vector.broadcast %add3A_166 : f32 to vector<1024x1xf32>
    %add3A_168 = arith.addf %sub3A_165, %add3A_167 : vector<1024x1xf32>
    %sub3A_169 = arith.subf %get3A_78, %get3A_68 : vector<1024x1xf32>
    %add3A_170 = arith.constant 1.000000e+00 : f32
    %add3A_171 = vector.broadcast %add3A_170 : f32 to vector<1024x1xf32>
    %add3A_172 = arith.addf %sub3A_169, %add3A_171 : vector<1024x1xf32>
    %mul3A_173 = arith.constant 5.000000e-01 : f32
    %mul3A_174 = vector.broadcast %mul3A_173 : f32 to vector<1024x1xf32>
    %mul3A_175 = arith.mulf %mul3A_174, %add3A_168 : vector<1024x1xf32>
    %add3A_176 = arith.addf %get3A_63, %mul3A_175 : vector<1024x1xf32>
    %mul3A_177 = arith.constant 5.000000e-01 : f32
    %mul3A_178 = vector.broadcast %mul3A_177 : f32 to vector<1024x1xf32>
    %mul3A_179 = arith.mulf %mul3A_178, %add3A_172 : vector<1024x1xf32>
    %add3A_180 = arith.addf %get3A_68, %mul3A_179 : vector<1024x1xf32>
    %div3A_181 = arith.constant 1.000000e+01 : f32
    %div3A_182 = vector.broadcast %div3A_181 : f32 to vector<1024x1xf32>
    %div3A_183 = arith.divf %get3A_43, %div3A_182 : vector<1024x1xf32>
    %div3A_184 = arith.constant 1.000000e+01 : f32
    %div3A_185 = vector.broadcast %div3A_184 : f32 to vector<1024x1xf32>
    %div3A_186 = arith.divf %get3A_48, %div3A_185 : vector<1024x1xf32>
    %div3A_187 = arith.constant 5.000000e+00 : f32
    %div3A_188 = vector.broadcast %div3A_187 : f32 to vector<1024x1xf32>
    %div3A_189 = arith.divf %get3A_53, %div3A_188 : vector<1024x1xf32>
    %min3A_190 = arith.constant 4.13516665 : f32
    %min3A_191 = vector.broadcast %min3A_190 : f32 to vector<1024x1xf32>
    %min3A_192 = arith.minimumf %div3A_189, %min3A_191 : vector<1024x1xf32>
    %div3A_193 = arith.constant 5.000000e+00 : f32
    %div3A_194 = vector.broadcast %div3A_193 : f32 to vector<1024x1xf32>
    %div3A_195 = arith.divf %get3A_58, %div3A_194 : vector<1024x1xf32>
    %min3A_196 = arith.constant 4.13516665 : f32
    %min3A_197 = vector.broadcast %min3A_196 : f32 to vector<1024x1xf32>
    %min3A_198 = arith.minimumf %div3A_195, %min3A_197 : vector<1024x1xf32>
    %mul3A_199 = arith.mulf %div3A_183, %add3A_168 : vector<1024x1xf32>
    %add3A_200 = arith.addf %mul3A_199, %add3A_176 : vector<1024x1xf32>
    %mul3A_201 = arith.mulf %div3A_186, %add3A_172 : vector<1024x1xf32>
    %add3A_202 = arith.addf %mul3A_201, %add3A_180 : vector<1024x1xf32>
    %exp3A_203 = math.exp %min3A_192 : vector<1024x1xf32>
    %mul3A_204 = arith.mulf %exp3A_203, %add3A_168 : vector<1024x1xf32>
    %exp3A_205 = math.exp %min3A_198 : vector<1024x1xf32>
    %mul3A_206 = arith.mulf %exp3A_205, %add3A_172 : vector<1024x1xf32>
    %sub3A_207 = arith.constant 1.000000e+00 : f32
    %sub3A_208 = vector.broadcast %sub3A_207 : f32 to vector<1024x1xf32>
    %sub3A_209 = arith.subf %mul3A_204, %sub3A_208 : vector<1024x1xf32>
    %mul3A_210 = arith.constant 5.000000e-01 : f32
    %mul3A_211 = vector.broadcast %mul3A_210 : f32 to vector<1024x1xf32>
    %mul3A_212 = arith.mulf %mul3A_211, %sub3A_209 : vector<1024x1xf32>
    %sub3A_213 = arith.subf %add3A_200, %mul3A_212 : vector<1024x1xf32>
    %jit3A_214 = arith.constant 0.000000e+00 : f32
    %jit3A_215 = arith.constant 7.990000e+02 : f32
    %max3A_216 = vector.broadcast %jit3A_214 : f32 to vector<1024x1xf32>
    %max3A_217 = arith.maximumf %max3A_216, %sub3A_213 : vector<1024x1xf32>
    %min3A_218 = vector.broadcast %jit3A_215 : f32 to vector<1024x1xf32>
    %min3A_219 = arith.minimumf %min3A_218, %max3A_217 : vector<1024x1xf32>
    %sub3A_220 = arith.constant 1.000000e+00 : f32
    %sub3A_221 = vector.broadcast %sub3A_220 : f32 to vector<1024x1xf32>
    %sub3A_222 = arith.subf %mul3A_206, %sub3A_221 : vector<1024x1xf32>
    %mul3A_223 = arith.constant 5.000000e-01 : f32
    %mul3A_224 = vector.broadcast %mul3A_223 : f32 to vector<1024x1xf32>
    %mul3A_225 = arith.mulf %mul3A_224, %sub3A_222 : vector<1024x1xf32>
    %sub3A_226 = arith.subf %add3A_202, %mul3A_225 : vector<1024x1xf32>
    %jit3A_227 = arith.constant 0.000000e+00 : f32
    %jit3A_228 = arith.constant 7.990000e+02 : f32
    %max3A_229 = vector.broadcast %jit3A_227 : f32 to vector<1024x1xf32>
    %max3A_230 = arith.maximumf %max3A_229, %sub3A_226 : vector<1024x1xf32>
    %min3A_231 = vector.broadcast %jit3A_228 : f32 to vector<1024x1xf32>
    %min3A_232 = arith.minimumf %min3A_231, %max3A_230 : vector<1024x1xf32>
    %sub3A_233 = arith.constant 1.000000e+00 : f32
    %sub3A_234 = vector.broadcast %sub3A_233 : f32 to vector<1024x1xf32>
    %sub3A_235 = arith.subf %mul3A_204, %sub3A_234 : vector<1024x1xf32>
    %mul3A_236 = arith.constant 5.000000e-01 : f32
    %mul3A_237 = vector.broadcast %mul3A_236 : f32 to vector<1024x1xf32>
    %mul3A_238 = arith.mulf %mul3A_237, %sub3A_235 : vector<1024x1xf32>
    %add3A_239 = arith.addf %add3A_200, %mul3A_238 : vector<1024x1xf32>
    %jit3A_240 = arith.constant 0.000000e+00 : f32
    %jit3A_241 = arith.constant 7.990000e+02 : f32
    %max3A_242 = vector.broadcast %jit3A_240 : f32 to vector<1024x1xf32>
    %max3A_243 = arith.maximumf %max3A_242, %add3A_239 : vector<1024x1xf32>
    %min3A_244 = vector.broadcast %jit3A_241 : f32 to vector<1024x1xf32>
    %min3A_245 = arith.minimumf %min3A_244, %max3A_243 : vector<1024x1xf32>
    %sub3A_246 = arith.constant 1.000000e+00 : f32
    %sub3A_247 = vector.broadcast %sub3A_246 : f32 to vector<1024x1xf32>
    %sub3A_248 = arith.subf %mul3A_206, %sub3A_247 : vector<1024x1xf32>
    %mul3A_249 = arith.constant 5.000000e-01 : f32
    %mul3A_250 = vector.broadcast %mul3A_249 : f32 to vector<1024x1xf32>
    %mul3A_251 = arith.mulf %mul3A_250, %sub3A_248 : vector<1024x1xf32>
    %add3A_252 = arith.addf %add3A_202, %mul3A_251 : vector<1024x1xf32>
    %jit3A_253 = arith.constant 0.000000e+00 : f32
    %jit3A_254 = arith.constant 7.990000e+02 : f32
    %max3A_255 = vector.broadcast %jit3A_253 : f32 to vector<1024x1xf32>
    %max3A_256 = arith.maximumf %max3A_255, %add3A_252 : vector<1024x1xf32>
    %min3A_257 = vector.broadcast %jit3A_254 : f32 to vector<1024x1xf32>
    %min3A_258 = arith.minimumf %min3A_257, %max3A_256 : vector<1024x1xf32>
    %get3A_259 = arith.constant 0 : index
    %get3A_260 = arith.constant 0 : index
    %get3A_261 = arith.constant 0 : index
    %get3A_262 = vector.load %arg3[%get3A_259, %get3A_260, %get3A_261] : memref<1x1x1024xf32, #tpu.memory_space<vmem>>, vector<1x1x1024xf32>
    %get3A_263 = vector.shape_cast %get3A_262 : vector<1x1x1024xf32> to vector<1x1024xf32>
    %mul3A_264 = arith.constant 1.600000e+03 : f32
    %mul3A_265 = vector.broadcast %mul3A_264 : f32 to vector<1x1024xf32>
    %mul3A_266 = arith.mulf %get3A_263, %mul3A_265 : vector<1x1024xf32>
    %get3A_267 = arith.constant 0 : index
    %get3A_268 = arith.constant 0 : index
    %get3A_269 = arith.constant 0 : index
    %get3A_270 = vector.load %arg4[%get3A_267, %get3A_268, %get3A_269] : memref<1x1024x1xf32, #tpu.memory_space<vmem>>, vector<1x1024x1xf32>
    %get3A_271 = vector.shape_cast %get3A_270 : vector<1x1024x1xf32> to vector<1024x1xf32>
    %mul3A_272 = arith.constant 1.600000e+03 : f32
    %mul3A_273 = vector.broadcast %mul3A_272 : f32 to vector<1024x1xf32>
    %mul3A_274 = arith.mulf %get3A_271, %mul3A_273 : vector<1024x1xf32>
    %add3A_275 = arith.addf %min3A_125, %mul3A_266 : vector<1x1024xf32>
    %add3A_276 = arith.addf %min3A_138, %mul3A_266 : vector<1x1024xf32>
    %add3A_277 = arith.addf %min3A_151, %mul3A_266 : vector<1x1024xf32>
    %add3A_278 = arith.addf %min3A_164, %mul3A_266 : vector<1x1024xf32>
    %add3A_279 = arith.addf %min3A_219, %mul3A_274 : vector<1024x1xf32>
    %add3A_280 = arith.addf %min3A_232, %mul3A_274 : vector<1024x1xf32>
    %add3A_281 = arith.addf %min3A_245, %mul3A_274 : vector<1024x1xf32>
    %add3A_282 = arith.addf %min3A_258, %mul3A_274 : vector<1024x1xf32>
    %sub3A_283 = arith.subf %add3A_277, %add3A_275 : vector<1x1024xf32>
    %add3A_284 = arith.constant 1.000000e+00 : f32
    %add3A_285 = vector.broadcast %add3A_284 : f32 to vector<1x1024xf32>
    %add3A_286 = arith.addf %sub3A_283, %add3A_285 : vector<1x1024xf32>
    %sub3A_287 = arith.subf %add3A_278, %add3A_276 : vector<1x1024xf32>
    %add3A_288 = arith.constant 1.000000e+00 : f32
    %add3A_289 = vector.broadcast %add3A_288 : f32 to vector<1x1024xf32>
    %add3A_290 = arith.addf %sub3A_287, %add3A_289 : vector<1x1024xf32>
    %mul3A_291 = arith.mulf %add3A_286, %add3A_290 : vector<1x1024xf32>
    %sub3A_292 = arith.subf %add3A_281, %add3A_279 : vector<1024x1xf32>
    %add3A_293 = arith.constant 1.000000e+00 : f32
    %add3A_294 = vector.broadcast %add3A_293 : f32 to vector<1024x1xf32>
    %add3A_295 = arith.addf %sub3A_292, %add3A_294 : vector<1024x1xf32>
    %sub3A_296 = arith.subf %add3A_282, %add3A_280 : vector<1024x1xf32>
    %add3A_297 = arith.constant 1.000000e+00 : f32
    %add3A_298 = vector.broadcast %add3A_297 : f32 to vector<1024x1xf32>
    %add3A_299 = arith.addf %sub3A_296, %add3A_298 : vector<1024x1xf32>
    %mul3A_300 = arith.mulf %add3A_295, %add3A_299 : vector<1024x1xf32>
    %min3A_301 = vector.broadcast %add3A_281 : vector<1024x1xf32> to vector<1024x1024xf32>
    %min3A_302 = vector.broadcast %add3A_277 : vector<1x1024xf32> to vector<1024x1024xf32>
    %min3A_303 = arith.minimumf %min3A_301, %min3A_302 : vector<1024x1024xf32>
    %max3A_304 = vector.broadcast %add3A_279 : vector<1024x1xf32> to vector<1024x1024xf32>
    %max3A_305 = vector.broadcast %add3A_275 : vector<1x1024xf32> to vector<1024x1024xf32>
    %max3A_306 = arith.maximumf %max3A_304, %max3A_305 : vector<1024x1024xf32>
    %sub3A_307 = arith.subf %min3A_303, %max3A_306 : vector<1024x1024xf32>
    %add3A_308 = arith.constant 1.000000e+00 : f32
    %add3A_309 = vector.broadcast %add3A_308 : f32 to vector<1024x1024xf32>
    %add3A_310 = arith.addf %sub3A_307, %add3A_309 : vector<1024x1024xf32>
    %jit3A_311 = arith.constant 0.000000e+00 : f32
    %max3A_312 = vector.broadcast %jit3A_311 : f32 to vector<1024x1024xf32>
    %max3A_313 = arith.maximumf %max3A_312, %add3A_310 : vector<1024x1024xf32>
    %min3A_314 = vector.broadcast %add3A_282 : vector<1024x1xf32> to vector<1024x1024xf32>
    %min3A_315 = vector.broadcast %add3A_278 : vector<1x1024xf32> to vector<1024x1024xf32>
    %min3A_316 = arith.minimumf %min3A_314, %min3A_315 : vector<1024x1024xf32>
    %max3A_317 = vector.broadcast %add3A_280 : vector<1024x1xf32> to vector<1024x1024xf32>
    %max3A_318 = vector.broadcast %add3A_276 : vector<1x1024xf32> to vector<1024x1024xf32>
    %max3A_319 = arith.maximumf %max3A_317, %max3A_318 : vector<1024x1024xf32>
    %sub3A_320 = arith.subf %min3A_316, %max3A_319 : vector<1024x1024xf32>
    %add3A_321 = arith.constant 1.000000e+00 : f32
    %add3A_322 = vector.broadcast %add3A_321 : f32 to vector<1024x1024xf32>
    %add3A_323 = arith.addf %sub3A_320, %add3A_322 : vector<1024x1024xf32>
    %jit3A_324 = arith.constant 0.000000e+00 : f32
    %max3A_325 = vector.broadcast %jit3A_324 : f32 to vector<1024x1024xf32>
    %max3A_326 = arith.maximumf %max3A_325, %add3A_323 : vector<1024x1024xf32>
    %mul3A_327 = arith.mulf %max3A_313, %max3A_326 : vector<1024x1024xf32>
    %add3A_328 = vector.broadcast %mul3A_300 : vector<1024x1xf32> to vector<1024x1024xf32>
    %add3A_329 = vector.broadcast %mul3A_291 : vector<1x1024xf32> to vector<1024x1024xf32>
    %add3A_330 = arith.addf %add3A_328, %add3A_329 : vector<1024x1024xf32>
    %sub3A_331 = arith.subf %add3A_330, %mul3A_327 : vector<1024x1024xf32>
    %add3A_332 = arith.constant 9.99999971E-10 : f32
    %add3A_333 = vector.broadcast %add3A_332 : f32 to vector<1024x1024xf32>
    %add3A_334 = arith.addf %sub3A_331, %add3A_333 : vector<1024x1024xf32>
    %div3A_335 = arith.divf %mul3A_327, %add3A_334 : vector<1024x1024xf32>
    %gt3A = arith.constant 5.000000e-01 : f32
    %gt3A_336 = vector.broadcast %gt3A : f32 to vector<1024x1024xf32>
    %gt3A_337 = arith.cmpf ogt, %div3A_335, %gt3A_336 : vector<1024x1024xf32>
    %jit3A_338 = arith.constant 1.000000e+00 : f32
    %jit3A_339 = arith.constant 0.000000e+00 : f32
    %broadcast_in_dim3A = vector.broadcast %jit3A_338 : f32 to vector<1024x1024xf32>
    %broadcast_in_dim3A_340 = vector.broadcast %jit3A_339 : f32 to vector<1024x1024xf32>
    %select_n3A = arith.select %gt3A_337, %broadcast_in_dim3A, %broadcast_in_dim3A_340 : vector<1024x1024xi1>, vector<1024x1024xf32>
    %swap3A = arith.constant 0 : index
    %swap3A_341 = arith.constant 0 : index
    %swap3A_342 = vector.load %arg7[%swap3A, %swap3A_341] : memref<1024x1024xf32, #tpu.memory_space<vmem>>, vector<1024x1024xf32>
    tpu.vector_store %arg7[%swap3A, %swap3A_341], %select_n3A {strides = array<i32>} : memref<1024x1024xf32, #tpu.memory_space<vmem>>, vector<1024x1024xf32>,
    %swap3A_343 = arith.constant 0 : index
    %swap3A_344 = arith.constant 0 : index
    %swap3A_345 = arith.constant 0 : index
    %swap3A_346 = vector.load %arg5[%swap3A_343, %swap3A_344, %swap3A_345] : memref<1x1024x4xf32, #tpu.memory_space<vmem>>, vector<1x1024x1xf32>
    %swap3A_347 = vector.shape_cast %swap3A_346 : vector<1x1024x1xf32> to vector<1024x1xf32>
    %swap3A_348 = vector.shape_cast %min3A_219 : vector<1024x1xf32> to vector<1x1024x1xf32>
    tpu.vector_store %arg5[%swap3A_343, %swap3A_344, %swap3A_345], %swap3A_348 {strides = array<i32>} : memref<1x1024x4xf32, #tpu.memory_space<vmem>>, vector<1x1024x1xf32>,
    %swap3A_349 = arith.constant 0 : index
    %swap3A_350 = arith.constant 0 : index
    %swap3A_351 = arith.constant 1 : index
    %swap3A_352 = vector.load %arg5[%swap3A_349, %swap3A_350, %swap3A_351] : memref<1x1024x4xf32, #tpu.memory_space<vmem>>, vector<1x1024x1xf32>
    %swap3A_353 = vector.shape_cast %swap3A_352 : vector<1x1024x1xf32> to vector<1024x1xf32>
    %swap3A_354 = vector.shape_cast %min3A_232 : vector<1024x1xf32> to vector<1x1024x1xf32>
    tpu.vector_store %arg5[%swap3A_349, %swap3A_350, %swap3A_351], %swap3A_354 {strides = array<i32>} : memref<1x1024x4xf32, #tpu.memory_space<vmem>>, vector<1x1024x1xf32>,
    %swap3A_355 = arith.constant 0 : index
    %swap3A_356 = arith.constant 0 : index
    %swap3A_357 = arith.constant 2 : index
    %swap3A_358 = vector.load %arg5[%swap3A_355, %swap3A_356, %swap3A_357] : memref<1x1024x4xf32, #tpu.memory_space<vmem>>, vector<1x1024x1xf32>
    %swap3A_359 = vector.shape_cast %swap3A_358 : vector<1x1024x1xf32> to vector<1024x1xf32>
    %swap3A_360 = vector.shape_cast %min3A_245 : vector<1024x1xf32> to vector<1x1024x1xf32>
    tpu.vector_store %arg5[%swap3A_355, %swap3A_356, %swap3A_357], %swap3A_360 {strides = array<i32>} : memref<1x1024x4xf32, #tpu.memory_space<vmem>>, vector<1x1024x1xf32>,
    %swap3A_361 = arith.constant 0 : index
    %swap3A_362 = arith.constant 0 : index
    %swap3A_363 = arith.constant 3 : index
    %swap3A_364 = vector.load %arg5[%swap3A_361, %swap3A_362, %swap3A_363] : memref<1x1024x4xf32, #tpu.memory_space<vmem>>, vector<1x1024x1xf32>
    %swap3A_365 = vector.shape_cast %swap3A_364 : vector<1x1024x1xf32> to vector<1024x1xf32>
    %swap3A_366 = vector.shape_cast %min3A_258 : vector<1024x1xf32> to vector<1x1024x1xf32>
    tpu.vector_store %arg5[%swap3A_361, %swap3A_362, %swap3A_363], %swap3A_366 {strides = array<i32>} : memref<1x1024x4xf32, #tpu.memory_space<vmem>>, vector<1x1024x1xf32>,
    %broadcast_in_dim3A_367 = arith.constant 1.000000e+00 : f32
    %broadcast_in_dim3A_368 = vector.broadcast %broadcast_in_dim3A_367 : f32 to vector<1x1024xf32>
    %swap3A_369 = arith.constant 0 : index
    %swap3A_370 = arith.constant 0 : index
    %swap3A_371 = arith.constant 0 : index
    %swap3A_372 = vector.load %arg6[%swap3A_369, %swap3A_370, %swap3A_371] : memref<1x1x1024xf32, #tpu.memory_space<vmem>>, vector<1x1x1024xf32>
    %swap3A_373 = vector.shape_cast %swap3A_372 : vector<1x1x1024xf32> to vector<1x1024xf32>
    %swap3A_374 = vector.shape_cast %broadcast_in_dim3A_368 : vector<1x1024xf32> to vector<1x1x1024xf32>
    tpu.vector_store %arg6[%swap3A_369, %swap3A_370, %swap3A_371], %swap3A_374 {strides = array<i32>} : memref<1x1x1024xf32, #tpu.memory_space<vmem>>, vector<1x1x1024xf32>,
    %iota3A = tpu.iota {dimensions = array<i32: 1>} : vector<1x1024xi32>
    %scan3A = arith.constant 0 : i32
    %scan3A_375 = arith.constant 1000 : i32
    %scan3A_376 = arith.addi %scan3A, %scan3A_375 : i32
    %scan3A_377 = arith.constant 1 : i32
    scf.for %scan3A_379 = %scan3A to %scan3A_376 step %scan3A_377  : i32 {
      %get3A_380 = arith.constant 0 : index
      %get3A_381 = arith.constant 0 : index
      %get3A_382 = arith.constant 0 : index
      %get3A_383 = vector.load %arg6[%get3A_380, %get3A_381, %get3A_382] : memref<1x1x1024xf32, #tpu.memory_space<vmem>>, vector<1x1x1024xf32>
      %get3A_384 = vector.shape_cast %get3A_383 : vector<1x1x1024xf32> to vector<1x1024xf32>
      %eq3A = vector.broadcast %scan3A_379 : i32 to vector<1x1024xi32>
      %eq3A_385 = arith.cmpi eq, %iota3A, %eq3A : vector<1x1024xi32>
      %jit3A_386 = arith.constant 1.000000e+00 : f32
      %jit3A_387 = arith.constant 0.000000e+00 : f32
      %broadcast_in_dim3A_388 = vector.broadcast %jit3A_386 : f32 to vector<1x1024xf32>
      %broadcast_in_dim3A_389 = vector.broadcast %jit3A_387 : f32 to vector<1x1024xf32>
      %select_n3A_390 = arith.select %eq3A_385, %broadcast_in_dim3A_388, %broadcast_in_dim3A_389 : vector<1x1024xi1>, vector<1x1024xf32>
      %mul3A_391 = arith.mulf %get3A_384, %select_n3A_390 : vector<1x1024xf32>
      %reduce_sum3A = vector.shape_cast %mul3A_391 : vector<1x1024xf32> to vector<1x1x1024xf32>
      %reduce_sum3A_392 = arith.constant dense<0.000000e+00> : vector<1xf32>
      %reduce_sum3A_393 = vector.multi_reduction <add>, %reduce_sum3A, %reduce_sum3A_392 [1, 2] : vector<1x1x1024xf32> to vector<1xf32>
      %reduce_sum3A_394 = vector.shape_cast %reduce_sum3A_393 : vector<1xf32> to vector<1x1x1xf32>
      %reduce_sum3A_395 = vector.extract %reduce_sum3A_394[0, 0, 0] : f32 from vector<1x1x1xf32>
      %get3A_396 = arith.index_cast %scan3A_379 : i32 to index
      %get3A_397 = arith.constant 0 : index
      %get3A_398 = vector.load %arg7[%get3A_396, %get3A_397] : memref<1024x1024xf32, #tpu.memory_space<vmem>>, vector<1x1024xf32>
      %gt3A_399 = vector.broadcast %scan3A_379 : i32 to vector<1x1024xi32>
      %gt3A_400 = arith.cmpi sgt, %iota3A, %gt3A_399 : vector<1x1024xi32>
      %jit3A_401 = arith.constant 1.000000e+00 : f32
      %jit3A_402 = arith.constant 0.000000e+00 : f32
      %broadcast_in_dim3A_403 = vector.broadcast %jit3A_401 : f32 to vector<1x1024xf32>
      %broadcast_in_dim3A_404 = vector.broadcast %jit3A_402 : f32 to vector<1x1024xf32>
      %select_n3A_405 = arith.select %gt3A_400, %broadcast_in_dim3A_403, %broadcast_in_dim3A_404 : vector<1x1024xi1>, vector<1x1024xf32>
      %mul3A_406 = arith.mulf %get3A_398, %select_n3A_405 : vector<1x1024xf32>
      %mul3A_407 = vector.broadcast %reduce_sum3A_395 : f32 to vector<1x1024xf32>
      %mul3A_408 = arith.mulf %mul3A_406, %mul3A_407 : vector<1x1024xf32>
      %sub3A_409 = arith.constant 1.000000e+00 : f32
      %sub3A_410 = vector.broadcast %sub3A_409 : f32 to vector<1x1024xf32>
      %sub3A_411 = arith.subf %sub3A_410, %mul3A_408 : vector<1x1024xf32>
      %mul3A_412 = arith.mulf %get3A_384, %sub3A_411 : vector<1x1024xf32>
      %swap3A_413 = arith.constant 0 : index
      %swap3A_414 = arith.constant 0 : index
      %swap3A_415 = arith.constant 0 : index
      %swap3A_416 = vector.load %arg6[%swap3A_413, %swap3A_414, %swap3A_415] : memref<1x1x1024xf32, #tpu.memory_space<vmem>>, vector<1x1x1024xf32>
      %swap3A_417 = vector.shape_cast %swap3A_416 : vector<1x1x1024xf32> to vector<1x1024xf32>
      %swap3A_418 = vector.shape_cast %mul3A_412 : vector<1x1024xf32> to vector<1x1x1024xf32>
      tpu.vector_store %arg6[%swap3A_413, %swap3A_414, %swap3A_415], %swap3A_418 {strides = array<i32>} : memref<1x1x1024xf32, #tpu.memory_space<vmem>>, vector<1x1x1024xf32>,
    }
    %scan3A_378 = arith.constant 1000 : i32
    return
  }
  func.func @transform_0(%arg0: i32) -> (i32, i32, i32) {
    %c0_i32 = arith.constant 0 : i32
    %c0_i32_0 = arith.constant 0 : i32
    %c0_i32_1 = arith.constant 0 : i32
    return %arg0, %c0_i32, %c0_i32_0 : i32, i32, i32
  }
  func.func @transform_1(%arg0: i32) -> (i32, i32, i32) {
    %c0_i32 = arith.constant 0 : i32
    %c0_i32_0 = arith.constant 0 : i32
    %c0_i32_1 = arith.constant 0 : i32
    return %arg0, %c0_i32, %c0_i32_0 : i32, i32, i32
  }
  func.func @transform_2(%arg0: i32) -> (i32, i32, i32) {
    %c0_i32 = arith.constant 0 : i32
    %c0_i32_0 = arith.constant 0 : i32
    %c0_i32_1 = arith.constant 0 : i32
    return %arg0, %c0_i32, %c0_i32_0 : i32, i32, i32
  }
  func.func @transform_3(%arg0: i32) -> (i32, i32, i32) {
    %c0_i32 = arith.constant 0 : i32
    %c0_i32_0 = arith.constant 0 : i32
    %c0_i32_1 = arith.constant 0 : i32
    return %arg0, %c0_i32, %c0_i32_0 : i32, i32, i32
  }
  func.func @transform_4(%arg0: i32) -> (i32, i32, i32) {
    %c0_i32 = arith.constant 0 : i32
    %c0_i32_0 = arith.constant 0 : i32
    %c0_i32_1 = arith.constant 0 : i32
    return %arg0, %c0_i32, %c0_i32_0 : i32, i32, i32
  }
  func.func @transform_5(%arg0: i32) -> (i32, i32, i32) {
    %c0_i32 = arith.constant 0 : i32
    %c0_i32_0 = arith.constant 0 : i32
    %c0_i32_1 = arith.constant 0 : i32
    return %arg0, %c0_i32, %c0_i32_0 : i32, i32, i32
  }
}

</mosaic_0001>

<sc_bundles>
// kernel: gather_offload_async_start.1
scs
__scs_entry_jumppad:
0x0: {  	(pc) =	sbr.rel $0x88, $3  }
0x1: {  	(tag) =	ssettag $0x0;
	lr =	simm.s32 $0x1  }
0x2: {  	[smem:$0x3F9E] =	sst lr;
	_ =	strace $0xD0000000  }
0x3: {  	_ = 	snop  }
0x4: {  	_ = 	snop  }
0x5: {  	_ = 	snop  }
0x6: {  	_ = 	snop  }
0x7: {  	_ = 	snop  }
__scs_overlays_trampoline_lowered:
0x8: {  	[smem:$0x3FAD] =	sst s0  }
0x9: {  	[smem:$0x3FAE] =	sst s1  }
0xa: {  	[smem:$0x3FAF] =	sst s2  }
0xb: {  	[smem:$0x3FB0] =	sst s3  }
0xc: {  	[smem:$0x3FB1] =	sst s4  }
0xd: {  	[smem:$0x3FB2] =	sst s5  }
0xe: {  	[smem:$0x3FB3] =	sst s6  }
0xf: {  	[smem:$0x3FB4] =	sst s7  }
0x10: {  	[smem:$0x3FB5] =	sst s8  }
0x11: {  	[smem:$0x3FB6] =	sst s9;
	s0 =	simm.s32 @!p0 $0x0  }
0x12: {  	s1 =	sld [smem:$0x3F9C];
	s0 =	simm.s32 @p0 $0x1  }
0x13: {  	[smem:$0x3FB7] =	sst s0;
	s0 =	simm.s32 @!p1 $0x0  }
0x14: {  	s2 =	sld [smem:$0x3F9B];
	s0 =	simm.s32 @p1 $0x1  }
0x15: {  	[smem:$0x3FB8] =	sst s0;
	s0 =	simm.s32 @!p2 $0x0  }
0x16: {  	s3 =	sld [smem:$0x3FDB];
	s0 =	simm.s32 @p2 $0x1  }
0x17: {  	s4 =	simm.s32 $0x1BF5;
	[smem:$0x3FBA] =	sst s0  }
0x18: {  	s0 =	sld [smem:$0x3F9D];
	_ =	swait.ge [sflag:s4], $0x0  }
0x19: {  	s7 =	sld [smem:$0x3F9E]  }
0x1a: {  	s8 =	sadd.s32 $0xFFFFE003, lr  }
0x1b: {  	s9 =	sadd.s32 $0xFFFFFEF7, lr;
	s5 =	simm.s32 $0xFFFFFFFF;
	p2 =	slt.u32 s8, $0xFFFFF086  }
0x1c: {  	p1 =	slt.u32 s9, $0xF7A;
	s5 =	simm.s32 @!p2 $0x0  }
0x1d: {  	s5 =	simm.s32 @p1 $0x1;
	p0 =	seq.s32 s7, s2  }
0x1e: {  	s7 =	smul.u32 @!p0 $0xF7A, s2;
	p2 =	seq.s32 @!p0 s5, $0x0  }
0x1f: {  	s9 =	smul.u32 $0xF7A, s1;
	s8 =	simm.s32 @!p0 $0x1BF5;
	p2 =	por !p2, p0  }
0x20: {  	[sflag:s8] =	ssyncset.s32 @!p0 $0xFFFFF086;
	s6 =	sadd.s32 @!p0 s3, s7;
	s7 =	simm.s32 @!p0 $0x108  }
0x21: {  	s3 =	sadd.s32 s3, s9;
	s6 =	sadd.s32 @!p0 $0x88, s6;
	s7 =	simm.s32 @p2 $0x1082  }
0x22: {  	[simem:s7], [sflag:s8] =	dma.local @!p0 [hbm:s6], $0xF7A  }
0x23: {  	s9 =	sor.u32 $0xD0000000, s2;
	s6 =	simm.s32 $0x108;
	_ =	swait.ge @!p0 [sflag:s8], $0x0  }
0x24: {  	s3 =	sadd.s32 $0x88, s3;
	s6 =	simm.s32 @!p1 $0x1082;
	[sflag:s4] =	ssyncset.s32 $0xFFFFF086  }
0x25: {  	[simem:s6], [sflag:s4] =	dma.local [hbm:s3], $0xF7A  }
0x26: {  	[smem:$0x3F9E] =	sst s1;
	(tag) =	ssettag s2;
	_ =	strace s9  }
0x27: {  	s1 =	sld [smem:$0x3FAE]  }
0x28: {  	s2 =	sld [smem:$0x3FAF]  }
0x29: {  	s4 =	sld [smem:$0x3FB1]  }
0x2a: {  	p0 =	seq.s32 s5, $0x0;
	s5 =	sld [smem:$0x3FB2]  }
0x2b: {  	s6 =	sld [smem:$0x3FB3]  }
0x2c: {  	s7 =	sld [smem:$0x3FB4]  }
0x2d: {  	s3 =	simm.s32 $0x108;
	s8 =	sld [smem:$0x3FB5]  }
0x2e: {  	s3 =	simm.s32 @!p0 $0x1082;
	s9 =	sld [smem:$0x3FB6]  }
0x2f: {  	lr =	sadd.s32 s0, s3;
	s0 =	sld [smem:$0x3FAD]  }
0x30: {  	s3 =	sld [smem:$0x3FB0]  }
0x31: {  	[smem:$0x3FB9] =	sst s10  }
0x32: {  	s10 =	sld [smem:$0x3FB7];
	_ =	sdelay $0x3  }
0x33: {  	p0 =	seq.s32 s10, $0x1;
	s10 =	sld [smem:$0x3FB9];
	_ =	sdelay $0x3  }
0x34: {  	[smem:$0x3FB9] =	sst s10  }
0x35: {  	s10 =	sld [smem:$0x3FB8];
	_ =	sdelay $0x3  }
0x36: {  	p1 =	seq.s32 s10, $0x1;
	s10 =	sld [smem:$0x3FB9];
	_ =	sdelay $0x3  }
0x37: {  	[smem:$0x3FB9] =	sst s10  }
0x38: {  	s10 =	sld [smem:$0x3FBA]  }
0x39: {  	_ = 	snop;
	(pc) =	sbr.ind lr, $3  }
0x3a: {  	_ = 	snop  }
0x3b: {  	_ = 	snop  }
0x3c: {  	p2 =	seq.s32 s10, $0x1;
	s10 =	sld [smem:$0x3FB9]  }
0x3d: {  	_ =	shalt  }
0x3e: {  	_ =	shalt  }
0x3f: {  	_ =	shalt  }
0x40: {  	_ =	shalt  }
0x41: {  	_ =	shalt  }
0x42: {  	_ =	shalt  }
0x43: {  	_ =	shalt  }
0x44: {  	_ =	shalt  }
0x45: {  	_ =	shalt  }
0x46: {  	_ =	shalt  }
0x47: {  	_ =	shalt  }
0x48: {  	_ =	shalt  }
0x49: {  	_ =	shalt  }
0x4a: {  	_ =	shalt  }
0x4b: {  	_ =	shalt  }
0x4c: {  	_ =	shalt  }
0x4d: {  	_ =	shalt  }
0x4e: {  	_ =	shalt  }
0x4f: {  	_ =	shalt  }
0x50: {  	_ =	shalt  }
0x51: {  	_ =	shalt  }
0x52: {  	_ =	shalt  }
0x53: {  	_ =	shalt  }
0x54: {  	_ =	shalt  }
0x55: {  	_ =	shalt  }
0x56: {  	_ =	shalt  }
0x57: {  	_ =	shalt  }
0x58: {  	_ =	shalt  }
0x59: {  	_ =	shalt  }
0x5a: {  	_ =	shalt  }
0x5b: {  	_ =	shalt  }
0x5c: {  	_ =	shalt  }
0x5d: {  	_ =	shalt  }
0x5e: {  	_ =	shalt  }
0x5f: {  	_ =	shalt  }
0x60: {  	_ =	shalt  }
0x61: {  	_ =	shalt  }
0x62: {  	_ =	shalt  }
0x63: {  	_ =	shalt  }
0x64: {  	_ =	shalt  }
0x65: {  	_ =	shalt  }
0x66: {  	_ =	shalt  }
0x67: {  	_ =	shalt  }
0x68: {  	_ =	shalt  }
0x69: {  	_ =	shalt  }
0x6a: {  	_ =	shalt  }
0x6b: {  	_ =	shalt  }
0x6c: {  	_ =	shalt  }
0x6d: {  	_ =	shalt  }
0x6e: {  	_ =	shalt  }
0x6f: {  	_ =	shalt  }
0x70: {  	_ =	shalt  }
0x71: {  	_ =	shalt  }
0x72: {  	_ =	shalt  }
0x73: {  	_ =	shalt  }
0x74: {  	_ =	shalt  }
0x75: {  	_ =	shalt  }
0x76: {  	_ =	shalt  }
0x77: {  	_ =	shalt  }
0x78: {  	_ =	shalt  }
0x79: {  	_ =	shalt  }
0x7a: {  	_ =	shalt  }
0x7b: {  	_ =	shalt  }
0x7c: {  	_ =	shalt  }
0x7d: {  	_ =	shalt  }
0x7e: {  	_ =	shalt  }
0x7f: {  	_ =	shalt  }
0x80: {  	_ =	shalt  }
0x81: {  	_ =	shalt  }
0x82: {  	_ =	shalt  }
0x83: {  	_ =	shalt  }
0x84: {  	_ =	shalt  }
0x85: {  	_ =	shalt  }
0x86: {  	_ =	shalt  }
0x87: {  	_ =	shalt  }
.Lfunc_end0:
.L_simem_size_0:
called_computation.1_lowered:
.L_overlay_start_0:
0x88: {  	s0 =	sld [smem:$0x3FD9]  }
0x89: {  	s1 =	sld [smem:$0x3FFE];
	_ =	sdelay $0x3  }
0x8a: {  	s0 =	sadd.s32 s1, s0  }
0x8b: {  	[smem:$0x3FC5] =	sst s0  }
0x8c: {  	_ = 	snop  }
0x8d: {  	(tm) =	ssettm $0x1  }
0x8e: {  	s15 =	sld [smem:$0x3FFB];
	_ =	sdelay $0x3  }
0x8f: {  	_ =	strace s15  }
0x90: {  	s0 =	sld [smem:$0x3FFC];
	_ =	sdelay $0x3  }
0x91: {  	_ =	strace s0  }
0x92: {  	s0 =	sld [smem:$0x3FFD];
	_ =	sdelay $0x3  }
0x93: {  	_ =	strace s0  }
0x94: {  	_ =	strace $0x8FFFFFFF  }
0x95: {  	s16 =	sld [smem:$0x3FDB];
	_ =	sdelay $0x1  }
0x96: {  	s17 =	simm.s32 $_scs_section_size  }
0x97: {  	s2 =	simm.s32 $_size__tile_overlayer_lowered;
	s3 =	simm.s32 $_tile_overlayer_lowered  }
0x98: {  	s20 =	simm.s32 $0x1BFF;
	s19 =	sshll.u32 s3, $0x1;
	s0 =	sadd.s32 s17, s16  }
0x99: {  	s4 =	simm.s32 $0x0;
	s18 =	sshll.u32 s2, $0x1;
	s2 =	sadd.s32 s19, s0  }
0x9a: {  	[timem:s4], [sflag:s20] =	dma.local [hbm:s2], s18  }
0x9b: {  	_ =	swait.ge [sflag:s20], s18  }
0x9c: {  	s1 =	ssub.s32 $0x0, s18;
	[sflag:s20] =	ssyncset.done $0x0  }
0x9d: {  	[sflag:s20] =	ssyncadd.s32 s1;
	_ =	sdelay $0x1  }
0x9e: {  	s21 =	simm.s32 $0x1B8B  }
0x9f: {  	_ =	swait.ge [sflag:s21], $0x1  }
0xa0: {  	[sflag:s21] =	ssyncset.done $0x0  }
0xa1: {  	s23 =	simm.s32 $0x1B8E;
	s22 =	sld [smem:$0x3FFE];
	[sflag:s21] =	ssyncadd.s32 $0xFFFFFFFF  }
0xa2: {  	s24 =	simm.s32 $execute0_lowered;
	[smem:$0x3FD2] =	sst s23  }
0xa3: {  	s2 =	sshll.u32 s24, $0x1;
	_ =	strace $0x80000049;
	[dreg:$0x1] =	wrdreg $0xFFFFFFFF  }
0xa4: {  	s25 =	simm.s32 $_size_execute0_lowered;
	s0 =	sadd.s32 s0, s2;
	[dreg:$0x0] =	wrdreg $0x0  }
0xa5: {  	s2 =	sshll.u32 s25, $0x1;
	[dreg:$0x2] =	wrdreg s0  }
0xa6: {  	[dreg:$0x3] =	wrdreg s2  }
0xa7: {  	[dreg:$0x4] =	wrdreg $0xC0  }
0xa8: {  	_ =	task [dreg:s4], $0x5FFFF  }
0xa9: {  	[dreg:$0x1] =	wrdreg $0xFFFFFFFF  }
0xaa: {  	[dreg:$0x0] =	wrdreg $0x60  }
0xab: {  	[dreg:$0x2] =	wrdreg s22  }
0xac: {  	[dreg:$0x3] =	wrdreg $0x9  }
0xad: {  	_ =	task.clear_ibuf [dreg:s4], $0x4FFFF;
	_ =	strace $0x90000049  }
0xae: {  	s26 =	simm.s32 $0x9;
	_ =	strace $0x8000004B  }
0xaf: {  	_ =	swait.ge [sflag:s26], $0x1  }
0xb0: {  	[sflag:s26] =	ssyncadd.s32 $0xFFFFFFFF  }
0xb1: {  	_ =	strace $0x9000004B  }
0xb2: {  	_ =	sfence  }
0xb3: {  	s28 =	sld [smem:$0x0];
	_ =	sdelay $0x1  }
0xb4: {  	s29 =	srdreg.scid  }
0xb5: {  	s30 =	sshll.u32 s29, $0xD;
	s31 =	sshrl.u32 s29, $0x2  }
0xb6: {  	s1 =	sand.u32 $0x1, s29;
	s2 =	sand.u32 $0x4000, s30;
	s0 =	sadd.s32 s31, s28  }
0xb7: {  	s1 =	sor.u32 s2, s1;
	s0 =	sshll.u32 s0, $0x11  }
0xb8: {  	s0 =	sor.u32 s0, s1  }
0xb9: {  	s0 =	sadd.s32 $0x8F2B, s0  }
0xba: {  	[sflag:s0] =	ssyncadd.remote.s32 $0x1  }
0xbb: {  	_ =	sfence.sel $0xFFFF  }
0xbc: {  	[dreg:$0x0] =	wrdreg $0xFFFFFFFF;
	(pc) =	sbr.abs _section_cstart, $3  }
0xbd: {  	[dreg:$0x1] =	wrdreg $0xFFFFFFFF  }
0xbe: {  	_ =	task.clear_ibuf [dreg:s4], $0x2FFFF;
	_ =	strace $0x9FFFFFFF  }
0xbf: {  	(tm) =	ssettm $0x7FFFFFFF  }
tec
execute0_lowered:
.L_overlay_start_1:
0x0: {  	(tag) =	ssettag $0x1  }
0x1: {  	s0 =	stileid.u32  }
0x2: {  	s1 =	smin.u32 s0, $0x9  }
0x3: {  	s1 =	sadd.s32 s0, s1  }
0x4: {  	p0 =	slt.u32 s0, $0x9;
	s2 =	smul.u32 $0x50, s1;
	s1 =	simm.s32 $0xA0  }
0x5: {  	s1 =	simm.s32 @!p0 $0x50  }
0x6: {  	s1 =	sadd.s32 s1, s2  }
0x7: {  	s3 =	smin.u32 s1, $0x7D0  }
0x8: {  	s7 =	ssub.s32 s3, s2  }
0x9: {  	p0 =	sgt.s32 s7, $0x0  }
0xa: {  	s7 =	simm.s32 @!p0 $0x0  }
0xb: {  	s31 =	smul.u32 $0xCCCD, s7  }
0xc: {  	s9 =	rddreg [dreg:$0x0];
	s6 =	simm.s32 $0x1;
	s11 =	simm.s32 $0x3  }
0xd: {  	s13 =	simm.s32 $0x0;
	s12 =	simm.s32 $0x0;
	s8 =	sshrl.u32 s31, $0x16  }
0xe: {  	s4 =	sadd.s32 $0xB8000, s9;
	s5 =	sadd.s32 $0xB0000, s9;
	s10 =	smul.u32 $0x50, s8  }
.Ltmp0:
0xf: {  	s9 =	sadd.s32 $0x110000, s9;
	s1 =	rddreg [dreg:$0x1];
	(pc) =	sbr.rel .LBB2_1-.Ltmp0, $4  }
0x10: {  	_ =	strace $0x8000004A;
	p0 =	sne.s32 s7, s10;
	s10 =	simm.s32 $0x1  }
0x11: {  	[sflag:s6] =	ssyncpa.u1 $0x0;
	s7 =	simm.s32 $0x2;
	s10 =	simm.s32 @!p0 $0x0  }
0x12: {  	[sflag:s7] =	ssyncpa.u1 $0x0;
	p0 =	por $0x0, $0x0;
	s8 =	sadd.s32 s8, s10  }
0x13: {  	vm0 =	vmmov $0xff;
	vm1 =	vcmask $0x3F20;
	[sflag:s11] =	ssyncpa.u1 $0x0;
	s11 =	smov.u32 s2;
	s10 =	sadd.s32 $0x1, s8  }
.LBB2_6:
0x14: {  	[hbm:s17] =	stream.linear.scatter [tilespmem:s14], [sflag:$0x3], $0x400, $0x38;
	[tilespmem:$0x50A0] =	vst v63  }
.LBB2_7:
0x15: {  	s13 =	sadd.s32 $0x50, s11  }
0x16: {  	s15 =	smov.u32 s2;
	p2 =	slt.s32 s13, s3  }
0x17: {  	s15 =	smov.u32 @p2 s13;
	p2 =	sne.s32 s12, s10  }
.Ltmp1:
0x18: {  	p1 =	slt.u32 s12, $0x2;
	(pc) =	sbr.rel @!p2 .LBB2_8-.Ltmp1, $4  }
0x19: {  	s14 =	simm.s32 @!p1 $0x3  }
0x1a: {  	s16 =	sadd.s32 $0x1, s12;
	_ =	swait.ge @!p1 [sflag:s14], $0x2800  }
0x1b: {  	p0 =	por !p0, !p0;
	s13 =	smov.u32 s11;
	[sflag:s14] =	ssyncset.done @!p1 $0x0  }
0x1c: {  	s12 =	smov.u32 s16;
	s11 =	smov.u32 s15;
	[sflag:s14] =	ssyncadd.s32 @!p1 $0xFFFFD800  }
.LBB2_1:
0x1d: {  	p1 =	sge.u32 s12, s8  }
0x1e: {  	s14 =	sxor.u32 @!p1 $0xFFFFFFFF, s12  }
0x1f: {  	s14 =	sand.u32 @!p1 $0x1, s14  }
0x20: {  	s14 =	smul.u32 @!p1 $0x140, s14  }
0x21: {  	s31 =	sadd.s32 $0xFFFFFFFF, s12;
	s15 =	sshrl.u32 @!p1 s11, $0x3  }
0x22: {  	s16 =	sand.u32 @!p1 $0x7, s11;
	s15 =	sadd.s32 @!p1 s5, s15;
	s14 =	sshrl.u32 @!p1 s14, $0x2  }
0x23: {  	[tilespmem:s14], [sflag:$0x2] =	stream.linear.gather @!p1 [hbm4b:s15+s16], $0x50, $0x38;
	[tilespmem:$0x50A0] =	vst v63  }
0x24: {  	p1 =	sge.u32 s31, s8  }
.Ltmp2:
0x25: {  	_ = 	snop;
	(pc) =	sbr.rel @p1 .LBB2_7-.Ltmp2, $1  }
0x26: {  	_ =	sdelay $0x3  }
0x27: {  	s14 =	simm.s32 $0x1  }
0x28: {  	s14 =	simm.s32 @!p0 $0x0  }
0x29: {  	s15 =	smul.u32 $0x140, s14  }
0x2a: {  	_ =	swait.ge [sflag:s7], $0x50  }
0x2b: {  	[sflag:s7] =	ssyncset.done $0x0;
	s16 =	sshrl.u32 s15, $0x2  }
0x2c: {  	[sflag:s7] =	ssyncadd.s32 $0xFFFFFFB0;
	s15 =	sadd.s32 $0x0, s16  }
0x2d: {  	v0 =	vld.msk [tilespmem:s15+$0x0 ss:$0x1], $0xffff;
	_ =	sdelay $0x4  }
0x2e: {  	vm2 =	vgt.s32 v0, $0x0  }
0x2f: {  	v0 =	vnsel vm2, $0x0, v0  }
0x30: {  	v0 =	vmin.u32 v0, $0x57E3  }
0x31: {  	v0 =	vshll.u32 v0, $0x4  }
0x32: {  	s14 =	smul.u32 $0xA000, s14;
	_ =	sdelay $0x1  }
0x33: {  	s14 =	sshrl.u32 s14, $0x2  }
0x34: {  	s14 =	sor.u32 $0xA0, s14  }
0x35: {  	[tilespmem:s14], [sflag:$0x1] =	stream.indirect_vreg.gather [hbm:s4], $0x80, v0, vm0, $0x38;
	[tilespmem:$0x50A0] =	vst v63  }
0x36: {  	s17 =	sadd.s32 $0x10, s16;
	s15 =	sadd.s32 $0x400, s14  }
0x37: {  	[tilespmem:s15], [sflag:$0x1] =	stream.indirect_vreg.gather [hbm:s4], $0x80, v0, vm1, $0x38;
	[tilespmem:$0x50A0] =	vst v63  }
0x38: {  	s18 =	simm.s32 $0x80;
	v0 =	vld.msk [tilespmem:s17+$0x0 ss:$0x1], $0xffff;
	s17 =	smov.u32 s14  }
.LBB2_3:
0x39: {  	p1 =	sne.s32 s18, $0x100;
	_ =	sdelay $0x4  }
0x3a: {  	vm2 =	vgt.s32 v0, $0x0  }
0x3b: {  	v0 =	vnsel vm2, $0x0, v0  }
0x3c: {  	v0 =	vmin.u32 v0, $0x57E3  }
0x3d: {  	v0 =	vshll.u32 v0, $0x4;
	_ =	sdelay $0x3  }
.Ltmp3:
0x3e: {  	s19 =	sshra.s32 s18, $0x2;
	s17 =	sadd.s32 $0x800, s17;
	(pc) =	sbr.rel @p1 .LBB2_3-.Ltmp3, $4  }
0x3f: {  	[tilespmem:s17], [sflag:$0x1] =	stream.indirect_vreg.gather [hbm:s4], $0x80, v0, vm0, $0x38;
	[tilespmem:$0x50A0] =	vst v63  }
0x40: {  	s19 =	sadd.s32 s19, s16;
	s20 =	sadd.s32 $0x400, s17  }
0x41: {  	[tilespmem:s20], [sflag:$0x1] =	stream.indirect_vreg.gather [hbm:s4], $0x80, v0, vm1, $0x38;
	[tilespmem:$0x50A0] =	vst v63  }
0x42: {  	s18 =	sadd.s32 $0x40, s18;
	v0 =	vld.msk [tilespmem:s19+$0x0 ss:$0x1], $0xffff  }
0x43: {  	_ =	sdelay $0x3  }
0x44: {  	vm2 =	vgt.s32 v0, $0x0  }
0x45: {  	v0 =	vnsel vm2, $0x0, v0  }
0x46: {  	v0 =	vmin.u32 v0, $0x57E3  }
0x47: {  	v0 =	vshll.u32 v0, $0x4;
	_ =	sdelay $0x3  }
0x48: {  	s16 =	sadd.s32 $0x800, s17  }
0x49: {  	[tilespmem:s16], [sflag:$0x1] =	stream.indirect_vreg.gather [hbm:s4], $0x80, v0, vm0, $0x38;
	[tilespmem:$0x50A0] =	vst v63  }
0x4a: {  	s16 =	sadd.s32 $0x400, s16  }
0x4b: {  	[tilespmem:s16], [sflag:$0x1] =	stream.indirect_vreg.gather [hbm:s4], $0x80, v0, vm1, $0x38;
	[tilespmem:$0x50A0] =	vst v63  }
0x4c: {  	s13 =	sshll.u32 s13, $0x4;
	_ =	swait.ge [sflag:s6], $0x2800  }
0x4d: {  	s13 =	sadd.s32 s13, s9;
	[sflag:s6] =	ssyncset.done $0x0  }
0x4e: {  	s17 =	sadd.s32 $0x0, s13;
	s16 =	simm.s32 $0x80;
	[sflag:s6] =	ssyncadd.s32 $0xFFFFD800  }
.LBB2_5:
0x4f: {  	[hbm:s17] =	stream.linear.scatter [tilespmem:s14], [sflag:$0x3], $0x400, $0x38;
	[tilespmem:$0x50A0] =	vst v63  }
0x50: {  	s17 =	smov.u32 s16;
	s14 =	smov.u32 s15;
	p1 =	sne.s32 s16, $0x480  }
.Ltmp4:
0x51: {  	s16 =	sadd.s32 $0x80, s16;
	(pc) =	sbr.rel @p1 .LBB2_5-.Ltmp4, $2  }
0x52: {  	_ =	sdelay $0x2  }
0x53: {  	s15 =	sadd.s32 $0x400, s15;
	s17 =	sadd.s32 s17, s13  }
.Ltmp5:
0x54: {  	_ = 	snop;
	(pc) =	sbr.rel .LBB2_6-.Ltmp5, $1  }
0x55: {  	_ =	sdelay $0x3  }
.LBB2_8:
0x56: {  	_ =	sfence.sel $0x180000  }
0x57: {  	s2 =	simm.s32 $0x2;
	[bflag:$0x0] =	sbarrier.arrive $0xFFFF  }
0x58: {  	s30 =	simm.s32 $0x3;
	[sflag:s2] =	ssyncpa.u1 $0x1  }
0x59: {  	s31 =	simm.s32 $0x1;
	[sflag:s30] =	ssyncpa.u1 $0x1  }
0x5a: {  	[sflag:s31] =	ssyncpa.u1 $0x1  }
0x5b: {  	p0 =	sne.s32 s0, $0x0;
	_ =	strace $0x9000004A  }
0x5c: {  	s0 =	sadd.s32 @!p0 $0x100000, s1;
	[bflag:$0x2] =	sbarrier.arrive $0xFFFF  }
0x5d: {  	[sflag:s0] =	ssyncadd.tile.s32 @!p0 $0x1;
	_ =	shalt  }
.Lfunc_end2:
_tile_overlayer_lowered:
.L_overlay_start_2:
0x5e: {  	(tag) =	ssettag $0x2  }
0x5f: {  	s0 =	rddreg [dreg:$0x0];
	s2 =	stileid.u32  }
0x60: {  	s1 =	rddreg [dreg:$0x1];
	p0 =	sne.s32 s2, $0x0  }
0x61: {  	s3 =	rddreg [dreg:$0x2];
	[bflag:$0x3] =	sbarrier.arrive $0xFFFF;
	s2 =	simm.s32 @!p0 $0x1C01  }
0x62: {  	[timem:s3], [sflag:s2] =	dma.local @!p0 [hbm:s0], s1  }
0x63: {  	s0 =	simm.s32 @!p0 $0x1  }
0x64: {  	_ =	swait.ge @!p0 [sflag:s0], s1  }
0x65: {  	s1 =	ssub.s32 @!p0 $0x0, s1;
	[sflag:s0] =	ssyncset.done @!p0 $0x0  }
0x66: {  	[sflag:s0] =	ssyncadd.s32 @!p0 s1  }
0x67: {  	[bflag:$0x3] =	sbarrier.arrive $0xFFFF  }
0x68: {  	_ =	shalt  }

// kernel: gather_offload_async_start.2
scs
__scs_entry_jumppad:
0x0: {  	(pc) =	sbr.rel $0x88, $3  }
0x1: {  	(tag) =	ssettag $0x0;
	lr =	simm.s32 $0x1  }
0x2: {  	[smem:$0x3F9E] =	sst lr;
	_ =	strace $0xD0000000  }
0x3: {  	_ = 	snop  }
0x4: {  	_ = 	snop  }
0x5: {  	_ = 	snop  }
0x6: {  	_ = 	snop  }
0x7: {  	_ = 	snop  }
__scs_overlays_trampoline_lowered:
0x8: {  	[smem:$0x3FAD] =	sst s0  }
0x9: {  	[smem:$0x3FAE] =	sst s1  }
0xa: {  	[smem:$0x3FAF] =	sst s2  }
0xb: {  	[smem:$0x3FB0] =	sst s3  }
0xc: {  	[smem:$0x3FB1] =	sst s4  }
0xd: {  	[smem:$0x3FB2] =	sst s5  }
0xe: {  	[smem:$0x3FB3] =	sst s6  }
0xf: {  	[smem:$0x3FB4] =	sst s7  }
0x10: {  	[smem:$0x3FB5] =	sst s8  }
0x11: {  	[smem:$0x3FB6] =	sst s9;
	s0 =	simm.s32 @!p0 $0x0  }
0x12: {  	s1 =	sld [smem:$0x3F9C];
	s0 =	simm.s32 @p0 $0x1  }
0x13: {  	[smem:$0x3FB7] =	sst s0;
	s0 =	simm.s32 @!p1 $0x0  }
0x14: {  	s2 =	sld [smem:$0x3F9B];
	s0 =	simm.s32 @p1 $0x1  }
0x15: {  	[smem:$0x3FB8] =	sst s0;
	s0 =	simm.s32 @!p2 $0x0  }
0x16: {  	s3 =	sld [smem:$0x3FDB];
	s0 =	simm.s32 @p2 $0x1  }
0x17: {  	s4 =	simm.s32 $0x1BF5;
	[smem:$0x3FBA] =	sst s0  }
0x18: {  	s0 =	sld [smem:$0x3F9D];
	_ =	swait.ge [sflag:s4], $0x0  }
0x19: {  	s7 =	sld [smem:$0x3F9E]  }
0x1a: {  	s8 =	sadd.s32 $0xFFFFE003, lr  }
0x1b: {  	s9 =	sadd.s32 $0xFFFFFEF7, lr;
	s5 =	simm.s32 $0xFFFFFFFF;
	p2 =	slt.u32 s8, $0xFFFFF086  }
0x1c: {  	p1 =	slt.u32 s9, $0xF7A;
	s5 =	simm.s32 @!p2 $0x0  }
0x1d: {  	s5 =	simm.s32 @p1 $0x1;
	p0 =	seq.s32 s7, s2  }
0x1e: {  	s7 =	smul.u32 @!p0 $0xF7A, s2;
	p2 =	seq.s32 @!p0 s5, $0x0  }
0x1f: {  	s9 =	smul.u32 $0xF7A, s1;
	s8 =	simm.s32 @!p0 $0x1BF5;
	p2 =	por !p2, p0  }
0x20: {  	[sflag:s8] =	ssyncset.s32 @!p0 $0xFFFFF086;
	s6 =	sadd.s32 @!p0 s3, s7;
	s7 =	simm.s32 @!p0 $0x108  }
0x21: {  	s3 =	sadd.s32 s3, s9;
	s6 =	sadd.s32 @!p0 $0x88, s6;
	s7 =	simm.s32 @p2 $0x1082  }
0x22: {  	[simem:s7], [sflag:s8] =	dma.local @!p0 [hbm:s6], $0xF7A  }
0x23: {  	s9 =	sor.u32 $0xD0000000, s2;
	s6 =	simm.s32 $0x108;
	_ =	swait.ge @!p0 [sflag:s8], $0x0  }
0x24: {  	s3 =	sadd.s32 $0x88, s3;
	s6 =	simm.s32 @!p1 $0x1082;
	[sflag:s4] =	ssyncset.s32 $0xFFFFF086  }
0x25: {  	[simem:s6], [sflag:s4] =	dma.local [hbm:s3], $0xF7A  }
0x26: {  	[smem:$0x3F9E] =	sst s1;
	(tag) =	ssettag s2;
	_ =	strace s9  }
0x27: {  	s1 =	sld [smem:$0x3FAE]  }
0x28: {  	s2 =	sld [smem:$0x3FAF]  }
0x29: {  	s4 =	sld [smem:$0x3FB1]  }
0x2a: {  	p0 =	seq.s32 s5, $0x0;
	s5 =	sld [smem:$0x3FB2]  }
0x2b: {  	s6 =	sld [smem:$0x3FB3]  }
0x2c: {  	s7 =	sld [smem:$0x3FB4]  }
0x2d: {  	s3 =	simm.s32 $0x108;
	s8 =	sld [smem:$0x3FB5]  }
0x2e: {  	s3 =	simm.s32 @!p0 $0x1082;
	s9 =	sld [smem:$0x3FB6]  }
0x2f: {  	lr =	sadd.s32 s0, s3;
	s0 =	sld [smem:$0x3FAD]  }
0x30: {  	s3 =	sld [smem:$0x3FB0]  }
0x31: {  	[smem:$0x3FB9] =	sst s10  }
0x32: {  	s10 =	sld [smem:$0x3FB7];
	_ =	sdelay $0x3  }
0x33: {  	p0 =	seq.s32 s10, $0x1;
	s10 =	sld [smem:$0x3FB9];
	_ =	sdelay $0x3  }
0x34: {  	[smem:$0x3FB9] =	sst s10  }
0x35: {  	s10 =	sld [smem:$0x3FB8];
	_ =	sdelay $0x3  }
0x36: {  	p1 =	seq.s32 s10, $0x1;
	s10 =	sld [smem:$0x3FB9];
	_ =	sdelay $0x3  }
0x37: {  	[smem:$0x3FB9] =	sst s10  }
0x38: {  	s10 =	sld [smem:$0x3FBA]  }
0x39: {  	_ = 	snop;
	(pc) =	sbr.ind lr, $3  }
0x3a: {  	_ = 	snop  }
0x3b: {  	_ = 	snop  }
0x3c: {  	p2 =	seq.s32 s10, $0x1;
	s10 =	sld [smem:$0x3FB9]  }
0x3d: {  	_ =	shalt  }
0x3e: {  	_ =	shalt  }
0x3f: {  	_ =	shalt  }
0x40: {  	_ =	shalt  }
0x41: {  	_ =	shalt  }
0x42: {  	_ =	shalt  }
0x43: {  	_ =	shalt  }
0x44: {  	_ =	shalt  }
0x45: {  	_ =	shalt  }
0x46: {  	_ =	shalt  }
0x47: {  	_ =	shalt  }
0x48: {  	_ =	shalt  }
0x49: {  	_ =	shalt  }
0x4a: {  	_ =	shalt  }
0x4b: {  	_ =	shalt  }
0x4c: {  	_ =	shalt  }
0x4d: {  	_ =	shalt  }
0x4e: {  	_ =	shalt  }
0x4f: {  	_ =	shalt  }
0x50: {  	_ =	shalt  }
0x51: {  	_ =	shalt  }
0x52: {  	_ =	shalt  }
0x53: {  	_ =	shalt  }
0x54: {  	_ =	shalt  }
0x55: {  	_ =	shalt  }
0x56: {  	_ =	shalt  }
0x57: {  	_ =	shalt  }
0x58: {  	_ =	shalt  }
0x59: {  	_ =	shalt  }
0x5a: {  	_ =	shalt  }
0x5b: {  	_ =	shalt  }
0x5c: {  	_ =	shalt  }
0x5d: {  	_ =	shalt  }
0x5e: {  	_ =	shalt  }
0x5f: {  	_ =	shalt  }
0x60: {  	_ =	shalt  }
0x61: {  	_ =	shalt  }
0x62: {  	_ =	shalt  }
0x63: {  	_ =	shalt  }
0x64: {  	_ =	shalt  }
0x65: {  	_ =	shalt  }
0x66: {  	_ =	shalt  }
0x67: {  	_ =	shalt  }
0x68: {  	_ =	shalt  }
0x69: {  	_ =	shalt  }
0x6a: {  	_ =	shalt  }
0x6b: {  	_ =	shalt  }
0x6c: {  	_ =	shalt  }
0x6d: {  	_ =	shalt  }
0x6e: {  	_ =	shalt  }
0x6f: {  	_ =	shalt  }
0x70: {  	_ =	shalt  }
0x71: {  	_ =	shalt  }
0x72: {  	_ =	shalt  }
0x73: {  	_ =	shalt  }
0x74: {  	_ =	shalt  }
0x75: {  	_ =	shalt  }
0x76: {  	_ =	shalt  }
0x77: {  	_ =	shalt  }
0x78: {  	_ =	shalt  }
0x79: {  	_ =	shalt  }
0x7a: {  	_ =	shalt  }
0x7b: {  	_ =	shalt  }
0x7c: {  	_ =	shalt  }
0x7d: {  	_ =	shalt  }
0x7e: {  	_ =	shalt  }
0x7f: {  	_ =	shalt  }
0x80: {  	_ =	shalt  }
0x81: {  	_ =	shalt  }
0x82: {  	_ =	shalt  }
0x83: {  	_ =	shalt  }
0x84: {  	_ =	shalt  }
0x85: {  	_ =	shalt  }
0x86: {  	_ =	shalt  }
0x87: {  	_ =	shalt  }
.Lfunc_end0:
.L_simem_size_0:
called_computation.2_lowered:
.L_overlay_start_0:
0x88: {  	s0 =	sld [smem:$0x3FD9]  }
0x89: {  	s1 =	sld [smem:$0x3FFE];
	_ =	sdelay $0x3  }
0x8a: {  	s0 =	sadd.s32 s1, s0  }
0x8b: {  	[smem:$0x3FC5] =	sst s0  }
0x8c: {  	_ = 	snop  }
0x8d: {  	(tm) =	ssettm $0x1  }
0x8e: {  	s15 =	sld [smem:$0x3FFB];
	_ =	sdelay $0x3  }
0x8f: {  	_ =	strace s15  }
0x90: {  	s0 =	sld [smem:$0x3FFC];
	_ =	sdelay $0x3  }
0x91: {  	_ =	strace s0  }
0x92: {  	s0 =	sld [smem:$0x3FFD];
	_ =	sdelay $0x3  }
0x93: {  	_ =	strace s0  }
0x94: {  	_ =	strace $0x8FFFFFFF  }
0x95: {  	s16 =	sld [smem:$0x3FDB];
	_ =	sdelay $0x1  }
0x96: {  	s17 =	simm.s32 $_scs_section_size  }
0x97: {  	s2 =	simm.s32 $_size__tile_overlayer_lowered;
	s3 =	simm.s32 $_tile_overlayer_lowered  }
0x98: {  	s20 =	simm.s32 $0x1BFF;
	s19 =	sshll.u32 s3, $0x1;
	s0 =	sadd.s32 s17, s16  }
0x99: {  	s4 =	simm.s32 $0x0;
	s18 =	sshll.u32 s2, $0x1;
	s2 =	sadd.s32 s19, s0  }
0x9a: {  	[timem:s4], [sflag:s20] =	dma.local [hbm:s2], s18  }
0x9b: {  	_ =	swait.ge [sflag:s20], s18  }
0x9c: {  	s1 =	ssub.s32 $0x0, s18;
	[sflag:s20] =	ssyncset.done $0x0  }
0x9d: {  	[sflag:s20] =	ssyncadd.s32 s1;
	_ =	sdelay $0x1  }
0x9e: {  	s21 =	simm.s32 $0x1B8B  }
0x9f: {  	_ =	swait.ge [sflag:s21], $0x1  }
0xa0: {  	[sflag:s21] =	ssyncset.done $0x0  }
0xa1: {  	s23 =	simm.s32 $0x1B8E;
	s22 =	sld [smem:$0x3FFE];
	[sflag:s21] =	ssyncadd.s32 $0xFFFFFFFF  }
0xa2: {  	s24 =	simm.s32 $execute0_lowered;
	[smem:$0x3FD2] =	sst s23  }
0xa3: {  	s2 =	sshll.u32 s24, $0x1;
	_ =	strace $0x80000046;
	[dreg:$0x1] =	wrdreg $0xFFFFFFFF  }
0xa4: {  	s25 =	simm.s32 $_size_execute0_lowered;
	s0 =	sadd.s32 s0, s2;
	[dreg:$0x0] =	wrdreg $0x0  }
0xa5: {  	s2 =	sshll.u32 s25, $0x1;
	[dreg:$0x2] =	wrdreg s0  }
0xa6: {  	[dreg:$0x3] =	wrdreg s2  }
0xa7: {  	[dreg:$0x4] =	wrdreg $0xC0  }
0xa8: {  	_ =	task [dreg:s4], $0x5FFFF  }
0xa9: {  	[dreg:$0x1] =	wrdreg $0xFFFFFFFF  }
0xaa: {  	[dreg:$0x0] =	wrdreg $0x60  }
0xab: {  	[dreg:$0x2] =	wrdreg s22  }
0xac: {  	[dreg:$0x3] =	wrdreg $0xA  }
0xad: {  	_ =	task.clear_ibuf [dreg:s4], $0x4FFFF;
	_ =	strace $0x90000046  }
0xae: {  	s26 =	simm.s32 $0xA;
	_ =	strace $0x80000048  }
0xaf: {  	_ =	swait.ge [sflag:s26], $0x1  }
0xb0: {  	[sflag:s26] =	ssyncadd.s32 $0xFFFFFFFF  }
0xb1: {  	_ =	strace $0x90000048  }
0xb2: {  	_ =	sfence  }
0xb3: {  	s28 =	sld [smem:$0x0];
	_ =	sdelay $0x1  }
0xb4: {  	s29 =	srdreg.scid  }
0xb5: {  	s30 =	sshll.u32 s29, $0xD;
	s31 =	sshrl.u32 s29, $0x2  }
0xb6: {  	s1 =	sand.u32 $0x1, s29;
	s2 =	sand.u32 $0x4000, s30;
	s0 =	sadd.s32 s31, s28  }
0xb7: {  	s1 =	sor.u32 s2, s1;
	s0 =	sshll.u32 s0, $0x11  }
0xb8: {  	s0 =	sor.u32 s0, s1  }
0xb9: {  	s0 =	sadd.s32 $0x8F2B, s0  }
0xba: {  	[sflag:s0] =	ssyncadd.remote.s32 $0x1  }
0xbb: {  	_ =	sfence.sel $0xFFFF  }
0xbc: {  	[dreg:$0x0] =	wrdreg $0xFFFFFFFF;
	(pc) =	sbr.abs _section_cstart, $3  }
0xbd: {  	[dreg:$0x1] =	wrdreg $0xFFFFFFFF  }
0xbe: {  	_ =	task.clear_ibuf [dreg:s4], $0x2FFFF;
	_ =	strace $0x9FFFFFFF  }
0xbf: {  	(tm) =	ssettm $0x7FFFFFFF  }
tec
execute0_lowered:
.L_overlay_start_1:
0x0: {  	(tag) =	ssettag $0x1  }
0x1: {  	s0 =	stileid.u32  }
0x2: {  	s1 =	smin.u32 s0, $0x9  }
0x3: {  	s1 =	sadd.s32 s0, s1  }
0x4: {  	p0 =	slt.u32 s0, $0x9;
	s2 =	smul.u32 $0x50, s1;
	s1 =	simm.s32 $0xA0  }
0x5: {  	s1 =	simm.s32 @!p0 $0x50  }
0x6: {  	s1 =	sadd.s32 s1, s2  }
0x7: {  	s3 =	smin.u32 s1, $0x7D0  }
0x8: {  	s7 =	ssub.s32 s3, s2  }
0x9: {  	p0 =	sgt.s32 s7, $0x0  }
0xa: {  	s7 =	simm.s32 @!p0 $0x0  }
0xb: {  	s31 =	smul.u32 $0xCCCD, s7  }
0xc: {  	s4 =	rddreg [dreg:$0x0];
	s6 =	simm.s32 $0x1  }
0xd: {  	s10 =	simm.s32 $0x3;
	s13 =	simm.s32 $0x0;
	s8 =	sshrl.u32 s31, $0x16  }
0xe: {  	s12 =	simm.s32 $0x0;
	s5 =	sadd.s32 $0x200, s4;
	s9 =	smul.u32 $0x50, s8  }
.Ltmp0:
0xf: {  	s11 =	smov.u32 s2;
	s1 =	rddreg [dreg:$0x1];
	(pc) =	sbr.rel .LBB2_1-.Ltmp0, $4  }
0x10: {  	_ =	strace $0x80000047;
	p0 =	sne.s32 s7, s9;
	s9 =	simm.s32 $0x1  }
0x11: {  	[sflag:s6] =	ssyncpa.u1 $0x0;
	s7 =	simm.s32 $0x2;
	s9 =	simm.s32 @!p0 $0x0  }
0x12: {  	[sflag:s7] =	ssyncpa.u1 $0x0;
	p0 =	por $0x0, $0x0;
	s8 =	sadd.s32 s8, s9  }
0x13: {  	vm0 =	vmmov $0xff;
	vm1 =	vcmask $0x3F20;
	s9 =	sadd.s32 $0xB0200, s4;
	[sflag:s10] =	ssyncpa.u1 $0x0;
	s10 =	sadd.s32 $0x1, s8  }
.LBB2_6:
0x14: {  	[hbm:s17] =	stream.linear.scatter [tilespmem:s14], [sflag:$0x3], $0x400, $0x38;
	[tilespmem:$0x50A0] =	vst v63  }
.LBB2_7:
0x15: {  	s13 =	sadd.s32 $0x50, s11  }
0x16: {  	s15 =	smov.u32 s2;
	p2 =	slt.s32 s13, s3  }
0x17: {  	s15 =	smov.u32 @p2 s13;
	p2 =	sne.s32 s12, s10  }
.Ltmp1:
0x18: {  	p1 =	slt.u32 s12, $0x2;
	(pc) =	sbr.rel @!p2 .LBB2_8-.Ltmp1, $4  }
0x19: {  	s14 =	simm.s32 @!p1 $0x3  }
0x1a: {  	s16 =	sadd.s32 $0x1, s12;
	_ =	swait.ge @!p1 [sflag:s14], $0x2800  }
0x1b: {  	p0 =	por !p0, !p0;
	s13 =	smov.u32 s11;
	[sflag:s14] =	ssyncset.done @!p1 $0x0  }
0x1c: {  	s12 =	smov.u32 s16;
	s11 =	smov.u32 s15;
	[sflag:s14] =	ssyncadd.s32 @!p1 $0xFFFFD800  }
.LBB2_1:
0x1d: {  	p1 =	sge.u32 s12, s8  }
0x1e: {  	s14 =	sxor.u32 @!p1 $0xFFFFFFFF, s12  }
0x1f: {  	s14 =	sand.u32 @!p1 $0x1, s14  }
0x20: {  	s14 =	smul.u32 @!p1 $0x140, s14  }
0x21: {  	s31 =	sadd.s32 $0xFFFFFFFF, s12;
	s15 =	sshrl.u32 @!p1 s11, $0x3  }
0x22: {  	s16 =	sand.u32 @!p1 $0x7, s11;
	s15 =	sadd.s32 @!p1 s4, s15;
	s14 =	sshrl.u32 @!p1 s14, $0x2  }
0x23: {  	[tilespmem:s14], [sflag:$0x2] =	stream.linear.gather @!p1 [hbm4b:s15+s16], $0x50, $0x38;
	[tilespmem:$0x50A0] =	vst v63  }
0x24: {  	p1 =	sge.u32 s31, s8  }
.Ltmp2:
0x25: {  	_ = 	snop;
	(pc) =	sbr.rel @p1 .LBB2_7-.Ltmp2, $1  }
0x26: {  	_ =	sdelay $0x3  }
0x27: {  	s14 =	simm.s32 $0x1  }
0x28: {  	s14 =	simm.s32 @!p0 $0x0  }
0x29: {  	s15 =	smul.u32 $0x140, s14  }
0x2a: {  	_ =	swait.ge [sflag:s7], $0x50  }
0x2b: {  	[sflag:s7] =	ssyncset.done $0x0;
	s16 =	sshrl.u32 s15, $0x2  }
0x2c: {  	[sflag:s7] =	ssyncadd.s32 $0xFFFFFFB0;
	s15 =	sadd.s32 $0x0, s16  }
0x2d: {  	v0 =	vld.msk [tilespmem:s15+$0x0 ss:$0x1], $0xffff;
	_ =	sdelay $0x4  }
0x2e: {  	vm2 =	veq.s32 v0, $0x80000000;
	v1 =	vand.u32 $0x1, v0;
	v0 =	vshll.u32 v0, $0x7  }
0x2f: {  	v1 =	vsel vm2, $0xFFFFFFFF, v1;
	v0 =	vand.u32 $0x7FFF00, v0  }
0x30: {  	v0 =	vsel vm2, $0xFFFFFF00, v0;
	v2 =	vand.u32 $0xFFFFFF00, v1;
	v1 =	vshll.u32 v1, $0x7  }
0x31: {  	v0 =	vadd.s32 v2, v0;
	v1 =	vand.u32 $0x80, v1  }
0x32: {  	v0 =	vor.u32 v1, v0  }
0x33: {  	v0 =	vshrl.u32 v0, $0x3  }
0x34: {  	s14 =	smul.u32 $0xA000, s14;
	_ =	sdelay $0x1  }
0x35: {  	s14 =	sshrl.u32 s14, $0x2  }
0x36: {  	s14 =	sor.u32 $0xA0, s14  }
0x37: {  	[tilespmem:s14], [sflag:$0x1] =	stream.indirect_vreg.gather [hbm:s5], $0x80, v0, vm0, $0x38;
	[tilespmem:$0x50A0] =	vst v63  }
0x38: {  	s17 =	sadd.s32 $0x10, s16;
	s15 =	sadd.s32 $0x400, s14  }
0x39: {  	[tilespmem:s15], [sflag:$0x1] =	stream.indirect_vreg.gather [hbm:s5], $0x80, v0, vm1, $0x38;
	[tilespmem:$0x50A0] =	vst v63  }
0x3a: {  	s18 =	simm.s32 $0x80;
	v0 =	vld.msk [tilespmem:s17+$0x0 ss:$0x1], $0xffff;
	s17 =	smov.u32 s14  }
.LBB2_3:
0x3b: {  	p1 =	sne.s32 s18, $0x100;
	_ =	sdelay $0x4  }
0x3c: {  	vm2 =	veq.s32 v0, $0x80000000;
	v1 =	vand.u32 $0x1, v0;
	v0 =	vshll.u32 v0, $0x7  }
0x3d: {  	v1 =	vsel vm2, $0xFFFFFFFF, v1;
	v0 =	vand.u32 $0x7FFF00, v0  }
0x3e: {  	v0 =	vsel vm2, $0xFFFFFF00, v0;
	v2 =	vand.u32 $0xFFFFFF00, v1;
	v1 =	vshll.u32 v1, $0x7  }
0x3f: {  	v0 =	vadd.s32 v2, v0;
	v1 =	vand.u32 $0x80, v1  }
0x40: {  	v0 =	vor.u32 v1, v0  }
0x41: {  	v0 =	vshrl.u32 v0, $0x3;
	_ =	sdelay $0x3  }
.Ltmp3:
0x42: {  	s19 =	sshra.s32 s18, $0x2;
	s17 =	sadd.s32 $0x800, s17;
	(pc) =	sbr.rel @p1 .LBB2_3-.Ltmp3, $4  }
0x43: {  	[tilespmem:s17], [sflag:$0x1] =	stream.indirect_vreg.gather [hbm:s5], $0x80, v0, vm0, $0x38;
	[tilespmem:$0x50A0] =	vst v63  }
0x44: {  	s19 =	sadd.s32 s19, s16;
	s20 =	sadd.s32 $0x400, s17  }
0x45: {  	[tilespmem:s20], [sflag:$0x1] =	stream.indirect_vreg.gather [hbm:s5], $0x80, v0, vm1, $0x38;
	[tilespmem:$0x50A0] =	vst v63  }
0x46: {  	s18 =	sadd.s32 $0x40, s18;
	v0 =	vld.msk [tilespmem:s19+$0x0 ss:$0x1], $0xffff  }
0x47: {  	_ =	sdelay $0x3  }
0x48: {  	vm2 =	veq.s32 v0, $0x80000000;
	v1 =	vand.u32 $0x1, v0;
	v63 =	vshll.u32 v0, $0x7  }
0x49: {  	v1 =	vsel vm2, $0xFFFFFFFF, v1;
	v0 =	vand.u32 $0x7FFF00, v63  }
0x4a: {  	v0 =	vsel vm2, $0xFFFFFF00, v0;
	v2 =	vand.u32 $0xFFFFFF00, v1;
	v1 =	vshll.u32 v1, $0x7  }
0x4b: {  	v0 =	vadd.s32 v2, v0;
	v1 =	vand.u32 $0x80, v1  }
0x4c: {  	v0 =	vor.u32 v1, v0  }
0x4d: {  	v0 =	vshrl.u32 v0, $0x3;
	_ =	sdelay $0x3  }
0x4e: {  	s16 =	sadd.s32 $0x800, s17  }
0x4f: {  	[tilespmem:s16], [sflag:$0x1] =	stream.indirect_vreg.gather [hbm:s5], $0x80, v0, vm0, $0x38;
	[tilespmem:$0x50A0] =	vst v63  }
0x50: {  	s16 =	sadd.s32 $0x400, s16  }
0x51: {  	[tilespmem:s16], [sflag:$0x1] =	stream.indirect_vreg.gather [hbm:s5], $0x80, v0, vm1, $0x38;
	[tilespmem:$0x50A0] =	vst v63  }
0x52: {  	s13 =	sshll.u32 s13, $0x4;
	_ =	swait.ge [sflag:s6], $0x2800  }
0x53: {  	s13 =	sadd.s32 s13, s9;
	[sflag:s6] =	ssyncset.done $0x0  }
0x54: {  	s17 =	sadd.s32 $0x0, s13;
	s16 =	simm.s32 $0x80;
	[sflag:s6] =	ssyncadd.s32 $0xFFFFD800  }
.LBB2_5:
0x55: {  	[hbm:s17] =	stream.linear.scatter [tilespmem:s14], [sflag:$0x3], $0x400, $0x38;
	[tilespmem:$0x50A0] =	vst v63  }
0x56: {  	s17 =	smov.u32 s16;
	s14 =	smov.u32 s15;
	p1 =	sne.s32 s16, $0x480  }
.Ltmp4:
0x57: {  	s16 =	sadd.s32 $0x80, s16;
	(pc) =	sbr.rel @p1 .LBB2_5-.Ltmp4, $2  }
0x58: {  	_ =	sdelay $0x2  }
0x59: {  	s15 =	sadd.s32 $0x400, s15;
	s17 =	sadd.s32 s17, s13  }
.Ltmp5:
0x5a: {  	_ = 	snop;
	(pc) =	sbr.rel .LBB2_6-.Ltmp5, $1  }
0x5b: {  	_ =	sdelay $0x3  }
.LBB2_8:
0x5c: {  	_ =	sfence.sel $0x180000  }
0x5d: {  	s2 =	simm.s32 $0x2;
	[bflag:$0x0] =	sbarrier.arrive $0xFFFF  }
0x5e: {  	s30 =	simm.s32 $0x3;
	[sflag:s2] =	ssyncpa.u1 $0x1  }
0x5f: {  	s31 =	simm.s32 $0x1;
	[sflag:s30] =	ssyncpa.u1 $0x1  }
0x60: {  	[sflag:s31] =	ssyncpa.u1 $0x1  }
0x61: {  	p0 =	sne.s32 s0, $0x0;
	_ =	strace $0x90000047  }
0x62: {  	s0 =	sadd.s32 @!p0 $0x100000, s1;
	[bflag:$0x2] =	sbarrier.arrive $0xFFFF  }
0x63: {  	[sflag:s0] =	ssyncadd.tile.s32 @!p0 $0x1;
	_ =	shalt  }
.Lfunc_end2:
_tile_overlayer_lowered:
.L_overlay_start_2:
0x64: {  	(tag) =	ssettag $0x2  }
0x65: {  	s0 =	rddreg [dreg:$0x0];
	s2 =	stileid.u32  }
0x66: {  	s1 =	rddreg [dreg:$0x1];
	p0 =	sne.s32 s2, $0x0  }
0x67: {  	s3 =	rddreg [dreg:$0x2];
	[bflag:$0x3] =	sbarrier.arrive $0xFFFF;
	s2 =	simm.s32 @!p0 $0x1C01  }
0x68: {  	[timem:s3], [sflag:s2] =	dma.local @!p0 [hbm:s0], s1  }
0x69: {  	s0 =	simm.s32 @!p0 $0x1  }
0x6a: {  	_ =	swait.ge @!p0 [sflag:s0], s1  }
0x6b: {  	s1 =	ssub.s32 @!p0 $0x0, s1;
	[sflag:s0] =	ssyncset.done @!p0 $0x0  }
0x6c: {  	[sflag:s0] =	ssyncadd.s32 @!p0 s1  }
0x6d: {  	[bflag:$0x3] =	sbarrier.arrive $0xFFFF  }
0x6e: {  	_ =	shalt  }

// kernel: gather_offload_async_start
scs
__scs_entry_jumppad:
0x0: {  	(pc) =	sbr.rel $0x88, $3  }
0x1: {  	(tag) =	ssettag $0x0;
	lr =	simm.s32 $0x1  }
0x2: {  	[smem:$0x3F9E] =	sst lr;
	_ =	strace $0xD0000000  }
0x3: {  	_ = 	snop  }
0x4: {  	_ = 	snop  }
0x5: {  	_ = 	snop  }
0x6: {  	_ = 	snop  }
0x7: {  	_ = 	snop  }
__scs_overlays_trampoline_lowered:
0x8: {  	[smem:$0x3FAD] =	sst s0  }
0x9: {  	[smem:$0x3FAE] =	sst s1  }
0xa: {  	[smem:$0x3FAF] =	sst s2  }
0xb: {  	[smem:$0x3FB0] =	sst s3  }
0xc: {  	[smem:$0x3FB1] =	sst s4  }
0xd: {  	[smem:$0x3FB2] =	sst s5  }
0xe: {  	[smem:$0x3FB3] =	sst s6  }
0xf: {  	[smem:$0x3FB4] =	sst s7  }
0x10: {  	[smem:$0x3FB5] =	sst s8  }
0x11: {  	[smem:$0x3FB6] =	sst s9;
	s0 =	simm.s32 @!p0 $0x0  }
0x12: {  	s1 =	sld [smem:$0x3F9C];
	s0 =	simm.s32 @p0 $0x1  }
0x13: {  	[smem:$0x3FB7] =	sst s0;
	s0 =	simm.s32 @!p1 $0x0  }
0x14: {  	s2 =	sld [smem:$0x3F9B];
	s0 =	simm.s32 @p1 $0x1  }
0x15: {  	[smem:$0x3FB8] =	sst s0;
	s0 =	simm.s32 @!p2 $0x0  }
0x16: {  	s3 =	sld [smem:$0x3FDB];
	s0 =	simm.s32 @p2 $0x1  }
0x17: {  	s4 =	simm.s32 $0x1BF5;
	[smem:$0x3FBA] =	sst s0  }
0x18: {  	s0 =	sld [smem:$0x3F9D];
	_ =	swait.ge [sflag:s4], $0x0  }
0x19: {  	s7 =	sld [smem:$0x3F9E]  }
0x1a: {  	s8 =	sadd.s32 $0xFFFFE003, lr  }
0x1b: {  	s9 =	sadd.s32 $0xFFFFFEF7, lr;
	s5 =	simm.s32 $0xFFFFFFFF;
	p2 =	slt.u32 s8, $0xFFFFF086  }
0x1c: {  	p1 =	slt.u32 s9, $0xF7A;
	s5 =	simm.s32 @!p2 $0x0  }
0x1d: {  	s5 =	simm.s32 @p1 $0x1;
	p0 =	seq.s32 s7, s2  }
0x1e: {  	s7 =	smul.u32 @!p0 $0xF7A, s2;
	p2 =	seq.s32 @!p0 s5, $0x0  }
0x1f: {  	s9 =	smul.u32 $0xF7A, s1;
	s8 =	simm.s32 @!p0 $0x1BF5;
	p2 =	por !p2, p0  }
0x20: {  	[sflag:s8] =	ssyncset.s32 @!p0 $0xFFFFF086;
	s6 =	sadd.s32 @!p0 s3, s7;
	s7 =	simm.s32 @!p0 $0x108  }
0x21: {  	s3 =	sadd.s32 s3, s9;
	s6 =	sadd.s32 @!p0 $0x88, s6;
	s7 =	simm.s32 @p2 $0x1082  }
0x22: {  	[simem:s7], [sflag:s8] =	dma.local @!p0 [hbm:s6], $0xF7A  }
0x23: {  	s9 =	sor.u32 $0xD0000000, s2;
	s6 =	simm.s32 $0x108;
	_ =	swait.ge @!p0 [sflag:s8], $0x0  }
0x24: {  	s3 =	sadd.s32 $0x88, s3;
	s6 =	simm.s32 @!p1 $0x1082;
	[sflag:s4] =	ssyncset.s32 $0xFFFFF086  }
0x25: {  	[simem:s6], [sflag:s4] =	dma.local [hbm:s3], $0xF7A  }
0x26: {  	[smem:$0x3F9E] =	sst s1;
	(tag) =	ssettag s2;
	_ =	strace s9  }
0x27: {  	s1 =	sld [smem:$0x3FAE]  }
0x28: {  	s2 =	sld [smem:$0x3FAF]  }
0x29: {  	s4 =	sld [smem:$0x3FB1]  }
0x2a: {  	p0 =	seq.s32 s5, $0x0;
	s5 =	sld [smem:$0x3FB2]  }
0x2b: {  	s6 =	sld [smem:$0x3FB3]  }
0x2c: {  	s7 =	sld [smem:$0x3FB4]  }
0x2d: {  	s3 =	simm.s32 $0x108;
	s8 =	sld [smem:$0x3FB5]  }
0x2e: {  	s3 =	simm.s32 @!p0 $0x1082;
	s9 =	sld [smem:$0x3FB6]  }
0x2f: {  	lr =	sadd.s32 s0, s3;
	s0 =	sld [smem:$0x3FAD]  }
0x30: {  	s3 =	sld [smem:$0x3FB0]  }
0x31: {  	[smem:$0x3FB9] =	sst s10  }
0x32: {  	s10 =	sld [smem:$0x3FB7];
	_ =	sdelay $0x3  }
0x33: {  	p0 =	seq.s32 s10, $0x1;
	s10 =	sld [smem:$0x3FB9];
	_ =	sdelay $0x3  }
0x34: {  	[smem:$0x3FB9] =	sst s10  }
0x35: {  	s10 =	sld [smem:$0x3FB8];
	_ =	sdelay $0x3  }
0x36: {  	p1 =	seq.s32 s10, $0x1;
	s10 =	sld [smem:$0x3FB9];
	_ =	sdelay $0x3  }
0x37: {  	[smem:$0x3FB9] =	sst s10  }
0x38: {  	s10 =	sld [smem:$0x3FBA]  }
0x39: {  	_ = 	snop;
	(pc) =	sbr.ind lr, $3  }
0x3a: {  	_ = 	snop  }
0x3b: {  	_ = 	snop  }
0x3c: {  	p2 =	seq.s32 s10, $0x1;
	s10 =	sld [smem:$0x3FB9]  }
0x3d: {  	_ =	shalt  }
0x3e: {  	_ =	shalt  }
0x3f: {  	_ =	shalt  }
0x40: {  	_ =	shalt  }
0x41: {  	_ =	shalt  }
0x42: {  	_ =	shalt  }
0x43: {  	_ =	shalt  }
0x44: {  	_ =	shalt  }
0x45: {  	_ =	shalt  }
0x46: {  	_ =	shalt  }
0x47: {  	_ =	shalt  }
0x48: {  	_ =	shalt  }
0x49: {  	_ =	shalt  }
0x4a: {  	_ =	shalt  }
0x4b: {  	_ =	shalt  }
0x4c: {  	_ =	shalt  }
0x4d: {  	_ =	shalt  }
0x4e: {  	_ =	shalt  }
0x4f: {  	_ =	shalt  }
0x50: {  	_ =	shalt  }
0x51: {  	_ =	shalt  }
0x52: {  	_ =	shalt  }
0x53: {  	_ =	shalt  }
0x54: {  	_ =	shalt  }
0x55: {  	_ =	shalt  }
0x56: {  	_ =	shalt  }
0x57: {  	_ =	shalt  }
0x58: {  	_ =	shalt  }
0x59: {  	_ =	shalt  }
0x5a: {  	_ =	shalt  }
0x5b: {  	_ =	shalt  }
0x5c: {  	_ =	shalt  }
0x5d: {  	_ =	shalt  }
0x5e: {  	_ =	shalt  }
0x5f: {  	_ =	shalt  }
0x60: {  	_ =	shalt  }
0x61: {  	_ =	shalt  }
0x62: {  	_ =	shalt  }
0x63: {  	_ =	shalt  }
0x64: {  	_ =	shalt  }
0x65: {  	_ =	shalt  }
0x66: {  	_ =	shalt  }
0x67: {  	_ =	shalt  }
0x68: {  	_ =	shalt  }
0x69: {  	_ =	shalt  }
0x6a: {  	_ =	shalt  }
0x6b: {  	_ =	shalt  }
0x6c: {  	_ =	shalt  }
0x6d: {  	_ =	shalt  }
0x6e: {  	_ =	shalt  }
0x6f: {  	_ =	shalt  }
0x70: {  	_ =	shalt  }
0x71: {  	_ =	shalt  }
0x72: {  	_ =	shalt  }
0x73: {  	_ =	shalt  }
0x74: {  	_ =	shalt  }
0x75: {  	_ =	shalt  }
0x76: {  	_ =	shalt  }
0x77: {  	_ =	shalt  }
0x78: {  	_ =	shalt  }
0x79: {  	_ =	shalt  }
0x7a: {  	_ =	shalt  }
0x7b: {  	_ =	shalt  }
0x7c: {  	_ =	shalt  }
0x7d: {  	_ =	shalt  }
0x7e: {  	_ =	shalt  }
0x7f: {  	_ =	shalt  }
0x80: {  	_ =	shalt  }
0x81: {  	_ =	shalt  }
0x82: {  	_ =	shalt  }
0x83: {  	_ =	shalt  }
0x84: {  	_ =	shalt  }
0x85: {  	_ =	shalt  }
0x86: {  	_ =	shalt  }
0x87: {  	_ =	shalt  }
.Lfunc_end0:
.L_simem_size_0:
called_computation_lowered:
.L_overlay_start_0:
0x88: {  	s0 =	sld [smem:$0x3FD9]  }
0x89: {  	s1 =	sld [smem:$0x3FFE];
	_ =	sdelay $0x3  }
0x8a: {  	s0 =	sadd.s32 s1, s0  }
0x8b: {  	[smem:$0x3FC5] =	sst s0  }
0x8c: {  	_ = 	snop  }
0x8d: {  	(tm) =	ssettm $0x1  }
0x8e: {  	s15 =	sld [smem:$0x3FFB];
	_ =	sdelay $0x3  }
0x8f: {  	_ =	strace s15  }
0x90: {  	s0 =	sld [smem:$0x3FFC];
	_ =	sdelay $0x3  }
0x91: {  	_ =	strace s0  }
0x92: {  	s0 =	sld [smem:$0x3FFD];
	_ =	sdelay $0x3  }
0x93: {  	_ =	strace s0  }
0x94: {  	_ =	strace $0x8FFFFFFF  }
0x95: {  	s16 =	sld [smem:$0x3FDB];
	_ =	sdelay $0x1  }
0x96: {  	s17 =	simm.s32 $_scs_section_size  }
0x97: {  	s2 =	simm.s32 $_size__tile_overlayer_lowered;
	s3 =	simm.s32 $_tile_overlayer_lowered  }
0x98: {  	s20 =	simm.s32 $0x1BFF;
	s19 =	sshll.u32 s3, $0x1;
	s0 =	sadd.s32 s17, s16  }
0x99: {  	s4 =	simm.s32 $0x0;
	s18 =	sshll.u32 s2, $0x1;
	s2 =	sadd.s32 s19, s0  }
0x9a: {  	[timem:s4], [sflag:s20] =	dma.local [hbm:s2], s18  }
0x9b: {  	_ =	swait.ge [sflag:s20], s18  }
0x9c: {  	s1 =	ssub.s32 $0x0, s18;
	[sflag:s20] =	ssyncset.done $0x0  }
0x9d: {  	[sflag:s20] =	ssyncadd.s32 s1;
	_ =	sdelay $0x1  }
0x9e: {  	s21 =	simm.s32 $0x1B8B  }
0x9f: {  	_ =	swait.ge [sflag:s21], $0x1  }
0xa0: {  	[sflag:s21] =	ssyncset.done $0x0  }
0xa1: {  	s23 =	simm.s32 $0x1B8E;
	s22 =	sld [smem:$0x3FFE];
	[sflag:s21] =	ssyncadd.s32 $0xFFFFFFFF  }
0xa2: {  	s24 =	simm.s32 $execute0_lowered;
	[smem:$0x3FD2] =	sst s23  }
0xa3: {  	s2 =	sshll.u32 s24, $0x1;
	_ =	strace $0x8000004C;
	[dreg:$0x1] =	wrdreg $0xFFFFFFFF  }
0xa4: {  	s25 =	simm.s32 $_size_execute0_lowered;
	s0 =	sadd.s32 s0, s2;
	[dreg:$0x0] =	wrdreg $0x0  }
0xa5: {  	s2 =	sshll.u32 s25, $0x1;
	[dreg:$0x2] =	wrdreg s0  }
0xa6: {  	[dreg:$0x3] =	wrdreg s2  }
0xa7: {  	[dreg:$0x4] =	wrdreg $0xC0  }
0xa8: {  	_ =	task [dreg:s4], $0x5FFFF  }
0xa9: {  	[dreg:$0x1] =	wrdreg $0xFFFFFFFF  }
0xaa: {  	[dreg:$0x0] =	wrdreg $0x60  }
0xab: {  	[dreg:$0x2] =	wrdreg s22  }
0xac: {  	[dreg:$0x3] =	wrdreg $0x9  }
0xad: {  	_ =	task.clear_ibuf [dreg:s4], $0x4FFFF;
	_ =	strace $0x9000004C  }
0xae: {  	s26 =	simm.s32 $0x9;
	_ =	strace $0x8000004E  }
0xaf: {  	_ =	swait.ge [sflag:s26], $0x1  }
0xb0: {  	[sflag:s26] =	ssyncadd.s32 $0xFFFFFFFF  }
0xb1: {  	_ =	strace $0x9000004E  }
0xb2: {  	_ =	sfence  }
0xb3: {  	s28 =	sld [smem:$0x0];
	_ =	sdelay $0x1  }
0xb4: {  	s29 =	srdreg.scid  }
0xb5: {  	s30 =	sshll.u32 s29, $0xD;
	s31 =	sshrl.u32 s29, $0x2  }
0xb6: {  	s1 =	sand.u32 $0x1, s29;
	s2 =	sand.u32 $0x4000, s30;
	s0 =	sadd.s32 s31, s28  }
0xb7: {  	s1 =	sor.u32 s2, s1;
	s0 =	sshll.u32 s0, $0x11  }
0xb8: {  	s0 =	sor.u32 s0, s1  }
0xb9: {  	s0 =	sadd.s32 $0x8F2B, s0  }
0xba: {  	[sflag:s0] =	ssyncadd.remote.s32 $0x1  }
0xbb: {  	_ =	sfence.sel $0xFFFF  }
0xbc: {  	[dreg:$0x0] =	wrdreg $0xFFFFFFFF;
	(pc) =	sbr.abs _section_cstart, $3  }
0xbd: {  	[dreg:$0x1] =	wrdreg $0xFFFFFFFF  }
0xbe: {  	_ =	task.clear_ibuf [dreg:s4], $0x2FFFF;
	_ =	strace $0x9FFFFFFF  }
0xbf: {  	(tm) =	ssettm $0x7FFFFFFF  }
tec
execute0_lowered:
.L_overlay_start_1:
0x0: {  	(tag) =	ssettag $0x1  }
0x1: {  	s8 =	rddreg [dreg:$0x0]  }
0x2: {  	s0 =	rddreg [dreg:$0x1];
	_ =	strace $0x8000004D  }
0x3: {  	s1 =	stileid.u32;
	s5 =	simm.s32 $0x1;
	s6 =	simm.s32 $0x500  }
0x4: {  	s9 =	simm.s32 $0x1;
	s10 =	simm.s32 $0x3;
	s13 =	simm.s32 $0x0  }
0x5: {  	s12 =	simm.s32 $0x0;
	s2 =	sadd.s32 $0xDE00, s8;
	s4 =	smul.u32 $0x50, s1  }
0x6: {  	s3 =	sadd.s32 $0xDC00, s8;
	p0 =	slt.u32 s1, $0xA;
	[sflag:s5] =	ssyncpa.u1 $0x0  }
.Ltmp0:
0x7: {  	s6 =	simm.s32 @!p0 $0x0;
	s7 =	ssub.s32 $0x7D0, s4;
	(pc) =	sbr.rel .LBB2_1-.Ltmp0, $4  }
0x8: {  	s9 =	simm.s32 @!p0 $0x0;
	p0 =	sne.s32 s7, s6;
	s7 =	simm.s32 $0x1  }
0x9: {  	s8 =	sadd.s32 $0xEC00, s8;
	s6 =	simm.s32 $0x2;
	s7 =	simm.s32 @!p0 $0x0  }
0xa: {  	s11 =	smov.u32 s4;
	[sflag:s6] =	ssyncpa.u1 $0x0;
	s7 =	sadd.s32 s9, s7  }
0xb: {  	vm0 =	vmmov $0xffff;
	[sflag:s10] =	ssyncpa.u1 $0x0;
	s10 =	simm.s32 $0x0;
	s9 =	sadd.s32 $0x1, s7  }
.LBB2_4:
0xc: {  	vm1 =	veq.s32 v4, $0x80000000;
	v56 =	vand.u32 $0x1, v4;
	v6 =	vand.u32 $0x3FFF, v6  }
0xd: {  	v2 =	vor.u32 v2, v5;
	v59 =	vshrl.u32 v1, $0x1;
	v60 =	vand.u32 $0x1, v1  }
0xe: {  	v4 =	vsel vm1, $0xFFFFFFFF, v56;
	v6 =	vsel vm1, $0xFFFFFFFF, v6;
	v2 =	vor.u32 v3, v2  }
0xf: {  	vm1 =	veq.s32 v1, $0x80000000;
	v5 =	vand.u32 $0x3FFF, v59;
	v7 =	vshrl.u32 v4, $0x1  }
0x10: {  	v57 =	vshll.u32 v6, $0x1;
	v4 =	vshll.u32 v4, $0x7;
	v1 =	vsel vm1, $0xFFFFFFFF, v60  }
0x11: {  	v5 =	vsel vm1, $0xFFFFFFFF, v5;
	v6 =	vand.u32 $0x7F, v6;
	v7 =	vmul.u32 $0x6E00, v7  }
0x12: {  	v58 =	vand.u32 $0xFFFFFF00, v57;
	v4 =	vand.u32 $0x80, v4;
	v61 =	vshrl.u32 v1, $0x1  }
0x13: {  	v62 =	vshll.u32 v5, $0x1;
	v3 =	vadd.s32 v7, v58;
	v7 =	vmul.u32 $0x6E00, v61  }
0x14: {  	v1 =	vshll.u32 v1, $0x7;
	v3 =	vor.u32 v4, v3;
	v4 =	vand.u32 $0xFFFFFF00, v62  }
0x15: {  	v1 =	vand.u32 $0x80, v1;
	v3 =	vor.u32 v6, v3;
	v4 =	vadd.s32 v7, v4  }
0x16: {  	[tilespmem:s16], [sflag:$0x1] =	stream.indirect_vreg.gather [hbm4b:s2+s10], $0x1, v0, vm0, $0x4038;
	v63 =	vand.u32 $0x7F, v5;
	v1 =	vor.u32 v1, v4;
	[tilespmem:$0x140] =	vst v63  }
0x17: {  	s15 =	sadd.s32 $0x10, s15;
	(ifvalue) =	ssetifvalue $0x7FFFFFFF;
	v0 =	vor.u32 v63, v1  }
0x18: {  	[tilespmem:s15], [sflag:$0x1] =	stream.indirect_vreg.gather [hbm4b:s2+s10], $0x1, v2, vm0, $0x4038;
	[tilespmem:$0x140] =	vst v63  }
0x19: {  	s15 =	sadd.s32 $0x10, s15;
	(ifvalue) =	ssetifvalue $0x7FFFFFFF  }
0x1a: {  	[tilespmem:s15], [sflag:$0x1] =	stream.indirect_vreg.gather [hbm4b:s2+s10], $0x1, v3, vm0, $0x4038;
	[tilespmem:$0x140] =	vst v63  }
0x1b: {  	s15 =	sadd.s32 $0x10, s15;
	(ifvalue) =	ssetifvalue $0x7FFFFFFF  }
0x1c: {  	[tilespmem:s15], [sflag:$0x1] =	stream.indirect_vreg.gather [hbm4b:s2+s10], $0x1, v0, vm0, $0x4038;
	[tilespmem:$0x140] =	vst v63  }
0x1d: {  	_ =	swait.ge [sflag:s5], $0x50  }
0x1e: {  	s30 =	sshrl.u32 s13, $0x3;
	[sflag:s5] =	ssyncset.done $0x0  }
0x1f: {  	s31 =	sand.u32 $0x7, s13;
	s15 =	sadd.s32 s8, s30;
	[sflag:s5] =	ssyncadd.s32 $0xFFFFFFB0  }
0x20: {  	[hbm4b:s15+s31] =	stream.linear.scatter [tilespmem:s14], [sflag:$0x3], $0x50, $0x38;
	[tilespmem:$0x140] =	vst v63  }
.LBB2_5:
0x21: {  	s15 =	sadd.s32 $0x500, s11  }
0x22: {  	p1 =	sgt.s32 s15, $0x7CF  }
0x23: {  	s15 =	smov.u32 @p1 s4;
	p1 =	sne.s32 s12, s9  }
.Ltmp1:
0x24: {  	p0 =	slt.u32 s12, $0x2;
	(pc) =	sbr.rel @!p1 .LBB2_6-.Ltmp1, $4  }
0x25: {  	s14 =	simm.s32 @!p0 $0x3  }
0x26: {  	_ =	swait.ge @!p0 [sflag:s14], $0x50  }
0x27: {  	s16 =	sadd.s32 $0x1, s12;
	s13 =	smov.u32 s11;
	[sflag:s14] =	ssyncset.done @!p0 $0x0  }
0x28: {  	s12 =	smov.u32 s16;
	s11 =	smov.u32 s15;
	[sflag:s14] =	ssyncadd.s32 @!p0 $0xFFFFFFB0  }
.LBB2_1:
0x29: {  	p0 =	sge.u32 s12, s7  }
0x2a: {  	s14 =	sxor.u32 @!p0 $0x1, s12  }
0x2b: {  	s14 =	smul.u32 @!p0 $0x140, s14  }
0x2c: {  	s31 =	sadd.s32 $0xFFFFFFFF, s12;
	s15 =	sshrl.u32 @!p0 s11, $0x3  }
0x2d: {  	s16 =	sand.u32 @!p0 $0x7, s11;
	s15 =	sadd.s32 @!p0 s3, s15;
	s14 =	sshra.s32 @!p0 s14, $0x2  }
0x2e: {  	[tilespmem:s14], [sflag:$0x2] =	stream.linear.gather @!p0 [hbm4b:s15+s16], $0x50, $0x38;
	[tilespmem:$0x140] =	vst v63  }
0x2f: {  	p0 =	sge.u32 s31, s7  }
.Ltmp2:
0x30: {  	_ = 	snop;
	(pc) =	sbr.rel @p0 .LBB2_5-.Ltmp2, $1  }
0x31: {  	_ =	sdelay $0x3  }
0x32: {  	s14 =	sand.u32 $0x1, s12  }
0x33: {  	_ =	swait.ge [sflag:s6], $0x50;
	p0 =	seq.s32 s14, $0x1;
	s14 =	simm.s32 $0x50  }
0x34: {  	[sflag:s6] =	ssyncset.done $0x0;
	s14 =	simm.s32 @!p0 $0x0  }
0x35: {  	[sflag:s6] =	ssyncadd.s32 $0xFFFFFFB0;
	(ifvalue) =	ssetifvalue $0x7FFFFFFF;
	v0 =	vld.msk [tilespmem:s14+$0x0 ss:$0x1], $0xffff  }
0x36: {  	s15 =	sadd.s32 $0x10, s14  }
0x37: {  	v1 =	vld.msk [tilespmem:s15+$0x0 ss:$0x1], $0xffff;
	_ =	sdelay $0x2  }
0x38: {  	v2 =	vshrl.u32 v0, $0x1  }
0x39: {  	vm1 =	veq.s32 v0, $0x80000000;
	v0 =	vand.u32 $0x1, v0;
	v2 =	vand.u32 $0x3FFF, v2  }
0x3a: {  	v0 =	vsel vm1, $0xFFFFFFFF, v0;
	v6 =	vshrl.u32 v1, $0x1;
	v2 =	vsel vm1, $0xFFFFFFFF, v2  }
0x3b: {  	v3 =	vshrl.u32 v0, $0x1;
	v0 =	vshll.u32 v0, $0x7;
	vm1 =	veq.s32 v1, $0x80000000  }
0x3c: {  	s15 =	sadd.s32 $0x10, s15;
	v1 =	vand.u32 $0x1, v1;
	v4 =	vshll.u32 v2, $0x1;
	v3 =	vmul.u32 $0x6E00, v3  }
0x3d: {  	v0 =	vand.u32 $0x80, v0;
	v7 =	vand.u32 $0x7F, v2;
	v5 =	vand.u32 $0xFFFFFF00, v4;
	v4 =	vld.msk [tilespmem:s15+$0x0 ss:$0x1], $0xffff  }
0x3e: {  	v1 =	vsel vm1, $0xFFFFFFFF, v1;
	v2 =	vadd.s32 v3, v5;
	v3 =	vand.u32 $0x3FFF, v6  }
0x3f: {  	v3 =	vsel vm1, $0xFFFFFFFF, v3;
	v0 =	vor.u32 v0, v2;
	v2 =	vshrl.u32 v1, $0x1  }
0x40: {  	v1 =	vshll.u32 v1, $0x7;
	v5 =	vshll.u32 v3, $0x1;
	v8 =	vmul.u32 $0x6E00, v2  }
0x41: {  	s18 =	simm.s32 $0x30;
	s14 =	sor.u32 $0xA0, s14;
	s17 =	sadd.s32 $0x10, s15;
	v2 =	vand.u32 $0x80, v1;
	v0 =	vor.u32 v7, v0;
	v5 =	vand.u32 $0xFFFFFF00, v5  }
0x42: {  	s16 =	smov.u32 s14;
	s15 =	smov.u32 s14;
	v1 =	vld.msk [tilespmem:s17+$0x0 ss:$0x1], $0xffff;
	v3 =	vand.u32 $0x7F, v3;
	(ifvalue) =	ssetifvalue $0x7FFFFFFF;
	v6 =	vshrl.u32 v4, $0x1;
	v5 =	vadd.s32 v8, v5  }
.LBB2_3:
0x43: {  	s18 =	sadd.s32 $0x10, s18  }
0x44: {  	vm1 =	veq.s32 v4, $0x80000000;
	v4 =	vand.u32 $0x1, v4;
	v6 =	vand.u32 $0x3FFF, v6;
	s15 =	sadd.s32 $0x10, s15;
	p0 =	slt.u32 s18, $0x40  }
.Ltmp3:
0x45: {  	v5 =	vor.u32 v2, v5;
	v4 =	vsel vm1, $0xFFFFFFFF, v4;
	v7 =	vsel vm1, $0xFFFFFFFF, v6;
	(pc) =	sbr.rel @p0 .LBB2_3-.Ltmp3, $4  }
0x46: {  	v2 =	vshrl.u32 v4, $0x1;
	v6 =	vshll.u32 v7, $0x1;
	v4 =	vshll.u32 v4, $0x7;
	[tilespmem:s16], [sflag:$0x1] =	stream.indirect_vreg.gather [hbm4b:s2+s10], $0x1, v0, vm0, $0x4038;
	[tilespmem:$0x140] =	vst v63  }
0x47: {  	v0 =	vor.u32 v3, v5;
	s16 =	smov.u32 s15;
	v8 =	vmul.u32 $0x6E00, v2;
	v2 =	vand.u32 $0x80, v4  }
0x48: {  	s17 =	sadd.s32 $0x10, s17;
	v9 =	vand.u32 $0xFFFFFF00, v6  }
0x49: {  	v3 =	vand.u32 $0x7F, v7;
	v6 =	vshrl.u32 v1, $0x1;
	v5 =	vadd.s32 v8, v9;
	(ifvalue) =	ssetifvalue $0x7FFFFFFF;
	v4 =	vmovc v1;
	v1 =	vld.msk [tilespmem:s17+$0x0 ss:$0x1], $0xffff  }
.Ltmp4:
0x4a: {  	_ = 	snop;
	(pc) =	sbr.rel .LBB2_4-.Ltmp4, $1  }
0x4b: {  	_ =	sdelay $0x3  }
.LBB2_6:
0x4c: {  	_ =	sfence.sel $0x180000  }
0x4d: {  	s2 =	simm.s32 $0x2;
	[bflag:$0x0] =	sbarrier.arrive $0xFFFF  }
0x4e: {  	s30 =	simm.s32 $0x3;
	[sflag:s2] =	ssyncpa.u1 $0x1  }
0x4f: {  	s31 =	simm.s32 $0x1;
	[sflag:s30] =	ssyncpa.u1 $0x1  }
0x50: {  	[sflag:s31] =	ssyncpa.u1 $0x1  }
0x51: {  	p0 =	sne.s32 s1, $0x0;
	_ =	strace $0x9000004D  }
0x52: {  	s0 =	sadd.s32 @!p0 $0x100000, s0;
	[bflag:$0x2] =	sbarrier.arrive $0xFFFF  }
0x53: {  	[sflag:s0] =	ssyncadd.tile.s32 @!p0 $0x1;
	_ =	shalt  }
.Lfunc_end2:
_tile_overlayer_lowered:
.L_overlay_start_2:
0x54: {  	(tag) =	ssettag $0x2  }
0x55: {  	s0 =	rddreg [dreg:$0x0];
	s2 =	stileid.u32  }
0x56: {  	s1 =	rddreg [dreg:$0x1];
	p0 =	sne.s32 s2, $0x0  }
0x57: {  	s3 =	rddreg [dreg:$0x2];
	[bflag:$0x3] =	sbarrier.arrive $0xFFFF;
	s2 =	simm.s32 @!p0 $0x1C01  }
0x58: {  	[timem:s3], [sflag:s2] =	dma.local @!p0 [hbm:s0], s1  }
0x59: {  	s0 =	simm.s32 @!p0 $0x1  }
0x5a: {  	_ =	swait.ge @!p0 [sflag:s0], s1  }
0x5b: {  	s1 =	ssub.s32 @!p0 $0x0, s1;
	[sflag:s0] =	ssyncset.done @!p0 $0x0  }
0x5c: {  	[sflag:s0] =	ssyncadd.s32 @!p0 s1  }
0x5d: {  	[bflag:$0x3] =	sbarrier.arrive $0xFFFF  }
0x5e: {  	_ =	shalt  }

</sc_bundles>
